<compile_context>
chip_gen: v7x
topology: tpu7x:2x2x1
jax: 0.10.2.dev20260603
libtpu: 0.0.44.dev20260713+nightly
codegen_flags: <defaults>
</compile_context>

<pallas_src>
import functools

import jax
import jax.numpy as jnp
from jax import lax
from jax.experimental import pallas as pl
from jax.experimental.pallas import tpu as pltpu
from jax.experimental.pallas import tpu_sc as plsc

VOCAB = 1000000
D = 64
SCALE = 8.0

NC = 2
NS = 16
NW = NC * NS

S = 200
BATCH = 4096
B2 = S * BATCH

CB = 256
TW = CB + 1
CHUNKS_PER_S = BATCH // CB
NTASK = S * CHUNKS_PER_S
TPW = NTASK // NW
RPW = TPW * CB


def _emb_body(xt_hbm, table_hbm, o2_hbm, idxall, rows0, rows1, tr0, tr1,
              gsem0, gsem1, osem0, osem1):
    wid = lax.axis_index("s") * NC + lax.axis_index("c")
    t0 = wid * TPW
    iota = lax.iota(jnp.int32, 16)

    pltpu.sync_copy(xt_hbm.at[pl.ds(t0 * CB, RPW)], idxall)

    @plsc.parallel_loop(0, RPW // 16, unroll=8)
    def _(r):
        sl = pl.ds(r * 16, 16)
        idxall[sl] = idxall[sl] * 2

    def gather(i, rows_v, gsem):
        return pltpu.make_async_copy(
            table_hbm.at[idxall.at[pl.ds(i * CB, CB)]], rows_v, gsem)

    def out_copy(i, tr_v, osem):
        tt = t0 + i
        s_id = tt // CHUNKS_PER_S
        c_id = tt % CHUNKS_PER_S
        return pltpu.make_async_copy(
            tr_v.at[:, pl.ds(0, CB)],
            o2_hbm.at[s_id, :, pl.ds(c_id * CB, CB)], osem)

    def transpose(rows_v, tr_v):
        @plsc.parallel_loop(0, CB * (D // 16), unroll=8)
        def _(q):
            r = q >> 2
            u = q & (D // 16 - 1)
            v = rows_v[r, pl.ds(u * 16, 16)] * SCALE
            row = iota + u * 16
            col = jnp.full((16,), 1, jnp.int32) * r
            plsc.store_scatter(tr_v, [row, col], v)

    gather(0, rows0, gsem0).start()
    gather(1, rows1, gsem1).start()

    rows = (rows0, rows1)
    trs = (tr0, tr1)
    gsems = (gsem0, gsem1)
    osems = (osem0, osem1)

    def outer(o, carry):
        for b in (0, 1):
            i = o * 2 + b
            gather(i, rows[b], gsems[b]).wait()

            @pl.when(i >= 2)
            def _():
                out_copy(i - 2, trs[b], osems[b]).wait()

            transpose(rows[b], trs[b])
            out_copy(i, trs[b], osems[b]).start()

            @pl.when(i + 2 < TPW)
            def _():
                gather(i + 2, rows[b], gsems[b]).start()

        return carry

    lax.fori_loop(0, TPW // 2, outer, 0)
    out_copy(TPW - 2, tr0, osem0).wait()
    out_copy(TPW - 1, tr1, osem1).wait()


@jax.jit
def _embedding(xt_flat, table2):
    mesh = plsc.VectorSubcoreMesh(core_axis_name="c", subcore_axis_name="s")
    k = functools.partial(
        pl.kernel,
        out_type=jax.ShapeDtypeStruct((S, D, BATCH), jnp.float32),
        mesh=mesh,
        scratch_types=[
            pltpu.VMEM((RPW,), jnp.int32),
            pltpu.VMEM((CB, D), jnp.float32),
            pltpu.VMEM((CB, D), jnp.float32),
            pltpu.VMEM((D, TW), jnp.float32),
            pltpu.VMEM((D, TW), jnp.float32),
            pltpu.SemaphoreType.DMA,
            pltpu.SemaphoreType.DMA,
            pltpu.SemaphoreType.DMA,
            pltpu.SemaphoreType.DMA,
        ],
        compiler_params=pltpu.CompilerParams(
            use_tc_tiling_on_sc=False, needs_layout_passes=False
        ),
    )(_emb_body)
    return k(xt_flat, table2)


def kernel(x, table):
    xt = jnp.transpose(x).reshape(-1)
    t2 = jnp.pad(table, ((0, 0), (0, D))).reshape(2 * VOCAB, D)
    o2 = _embedding(xt, t2)
    return jnp.transpose(o2, (2, 0, 1))

# --- scband reference (transcript-rebuilt; emitter-appended) ---
"""Pipeline reference for scband-word-embedding-55594056679689 (READ-ONLY COPY).

The authoritative reference and input builder live on the scoring server;
editing this copy changes nothing except your own understanding.
"""

import jax, jax.numpy as jnp
import numpy as np

VOCAB = 1000000
EMBED_DIM = 64

def setup_inputs(seed: int = 0) -> dict:
    key = jax.random.key(seed)
    k1, k2 = jax.random.split(key)
    x = jax.random.randint(k1, (4096, 200), 0, VOCAB, dtype=jnp.int64 if jax.config.jax_enable_x64 else jnp.int32)
    table = jax.random.normal(k2, (VOCAB, EMBED_DIM), dtype=jnp.float32)
    return {"x": x, "table": table}

def reference(x, table):
    # nn.Embedding lookup followed by sqrt(d) scaling
    out = jnp.take(table, x, axis=0) * (EMBED_DIM ** 0.5)
    return out

if __name__ == "__main__":
    import jax
    _d = setup_inputs()
    print(jax.jit(kernel)(*tuple(_d.values())))

</pallas_src>

<mosaic_0001>
#map = affine_map<(d0, d1) -> (0)>
#map1 = affine_map<(d0, d1) -> (0, 0)>
#map2 = affine_map<(d0, d1) -> (0, 0, 0)>
module attributes {stable_mosaic.version = 14 : i64} {
  func.func @_emb_body(%arg0: i32, %arg1: i32, %arg2: memref<819200xi32, #tpu.memory_space<hbm>>, %arg3: memref<2000000x64xf32, #tpu.memory_space<hbm>>, %arg4: memref<200x64x4096xf32, #tpu.memory_space<hbm>>, %arg5: memref<25600xi32, #tpu.memory_space<vmem>>, %arg6: memref<256x64xf32, #tpu.memory_space<vmem>>, %arg7: memref<256x64xf32, #tpu.memory_space<vmem>>, %arg8: memref<64x257xf32, #tpu.memory_space<vmem>>, %arg9: memref<64x257xf32, #tpu.memory_space<vmem>>, %arg10: memref<!tpu.dma_semaphore, #tpu.memory_space<semaphore_mem>>, %arg11: memref<!tpu.dma_semaphore, #tpu.memory_space<semaphore_mem>>, %arg12: memref<!tpu.dma_semaphore, #tpu.memory_space<semaphore_mem>>, %arg13: memref<!tpu.dma_semaphore, #tpu.memory_space<semaphore_mem>>) attributes {dimension_semantics = [#tpu.dimension_semantics<core_parallel>, #tpu.dimension_semantics<subcore_parallel>], iteration_bounds = array<i64: 2, 16>, scalar_prefetch = 0 : i64, scratch_operands = 9 : i64, tpu.core_type = #tpu.core_type<sc_vector_subcore>, window_params = [{transform_indices = #map}, {transform_indices = #map1}, {transform_indices = #map2}]} {
    %mul3A = arith.constant 2 : i32
    %mul3A_0 = arith.muli %arg1, %mul3A : i32
    %add3A = arith.addi %mul3A_0, %arg0 : i32
    %mul3A_1 = arith.constant 100 : i32
    %mul3A_2 = arith.muli %add3A, %mul3A_1 : i32
    %iota3A = tpu.iota {dimensions = array<i32: 0>} : vector<16xi32>
    %mul3A_3 = arith.constant 256 : i32
    %mul3A_4 = arith.muli %mul3A_2, %mul3A_3 : i32
    "tpu.region"() ({
      %run_scoped3A = tpu.sem_alloc : memref<!tpu.dma_semaphore, #tpu.memory_space<semaphore_mem>>
      %dma_start3A_122 = tpu.memref_slice %arg2[%mul3A_4] : memref<819200xi32, #tpu.memory_space<hbm>> -> memref<25600xi32, #tpu.memory_space<hbm>>
      %dma_start3A_123 = tpu.memref_slice %arg2[%mul3A_4] : memref<819200xi32, #tpu.memory_space<hbm>> -> memref<25600xi32, #tpu.memory_space<hbm>>
      tpu.enqueue_dma source(%dma_start3A_123 : memref<25600xi32, #tpu.memory_space<hbm>>) target(%arg5 : memref<25600xi32, #tpu.memory_space<vmem>>) target_semaphore(%run_scoped3A : memref<!tpu.dma_semaphore, #tpu.memory_space<semaphore_mem>>)
      %dma_wait3A_124 = tpu.memref_slice %arg2[%mul3A_4] : memref<819200xi32, #tpu.memory_space<hbm>> -> memref<25600xi32, #tpu.memory_space<hbm>>
      %dma_wait3A_125 = tpu.memref_slice %arg2[%mul3A_4] : memref<819200xi32, #tpu.memory_space<hbm>> -> memref<25600xi32, #tpu.memory_space<hbm>>
      tpu.wait_dma2 semaphore(%run_scoped3A : memref<!tpu.dma_semaphore, #tpu.memory_space<semaphore_mem>>) src(%dma_wait3A_125 : memref<25600xi32, #tpu.memory_space<hbm>>) dst(%arg5 : memref<25600xi32, #tpu.memory_space<vmem>>)
      tpu.yield
    }) : () -> ()
    %parallel_loop3A = arith.constant 0 : i32
    %parallel_loop3A_5 = arith.constant 1600 : i32
    %parallel_loop3A_6 = arith.constant 1 : i32
    scf.for %parallel_loop3A_122 = %parallel_loop3A to %parallel_loop3A_5 step %parallel_loop3A_6  : i32 {
      %parallel_loop3A_123 = arith.constant 16 : i32
      %parallel_loop3A_124 = arith.muli %parallel_loop3A_122, %parallel_loop3A_123 : i32
      %parallel_loop3A_125 = arith.index_cast %parallel_loop3A_124 : i32 to index
      %parallel_loop3A_126 = tpu.vector_load %arg5[%parallel_loop3A_125] {strides = array<i32>} : memref<25600xi32, #tpu.memory_space<vmem>>, vector<16xi32>,
      %parallel_loop3A_127 = arith.constant 2 : i32
      %parallel_loop3A_128 = vector.broadcast %parallel_loop3A_127 : i32 to vector<16xi32>
      %parallel_loop3A_129 = arith.muli %parallel_loop3A_126, %parallel_loop3A_128 : vector<16xi32>
      %parallel_loop3A_130 = arith.index_cast %parallel_loop3A_124 : i32 to index
      %parallel_loop3A_131 = tpu.vector_load %arg5[%parallel_loop3A_130] {strides = array<i32>} : memref<25600xi32, #tpu.memory_space<vmem>>, vector<16xi32>,
      tpu.vector_store %arg5[%parallel_loop3A_130], %parallel_loop3A_129 {strides = array<i32>} : memref<25600xi32, #tpu.memory_space<vmem>>, vector<16xi32>,
    } {sc.loop_unroll_factor = 8 : i64, sc.parallel_access}
    %dma_start3A = arith.constant 0 : i32
    %dma_start3A_7 = tpu.memref_slice %arg5[%dma_start3A] : memref<25600xi32, #tpu.memory_space<vmem>> -> memref<256xi32, #tpu.memory_space<vmem>>
    %dma_start3A_8 = arith.constant 0 : i32
    %dma_start3A_9 = arith.constant 0 : i32
    %dma_start3A_10 = tpu.memref_slice %arg3[%dma_start3A_8, %dma_start3A_9] : memref<2000000x64xf32, #tpu.memory_space<hbm>> -> memref<2000000x64xf32, #tpu.memory_space<hbm>>
    tpu.enqueue_indirect_dma source(%dma_start3A_10 : memref<2000000x64xf32, #tpu.memory_space<hbm>>) target(%arg6 : memref<256x64xf32, #tpu.memory_space<vmem>>) offsets(%dma_start3A_7 : memref<256xi32, #tpu.memory_space<vmem>>) semaphore(%arg10 : memref<!tpu.dma_semaphore, #tpu.memory_space<semaphore_mem>>)
    %dma_start3A_11 = arith.constant 256 : i32
    %dma_start3A_12 = tpu.memref_slice %arg5[%dma_start3A_11] : memref<25600xi32, #tpu.memory_space<vmem>> -> memref<256xi32, #tpu.memory_space<vmem>>
    %dma_start3A_13 = arith.constant 0 : i32
    %dma_start3A_14 = arith.constant 0 : i32
    %dma_start3A_15 = tpu.memref_slice %arg3[%dma_start3A_13, %dma_start3A_14] : memref<2000000x64xf32, #tpu.memory_space<hbm>> -> memref<2000000x64xf32, #tpu.memory_space<hbm>>
    tpu.enqueue_indirect_dma source(%dma_start3A_15 : memref<2000000x64xf32, #tpu.memory_space<hbm>>) target(%arg7 : memref<256x64xf32, #tpu.memory_space<vmem>>) offsets(%dma_start3A_12 : memref<256xi32, #tpu.memory_space<vmem>>) semaphore(%arg11 : memref<!tpu.dma_semaphore, #tpu.memory_space<semaphore_mem>>)
    %scan3A = arith.constant 0 : i32
    %scan3A_16 = arith.constant 0 : i32
    %scan3A_17 = arith.constant 50 : i32
    %scan3A_18 = arith.addi %scan3A_16, %scan3A_17 : i32
    %scan3A_19 = arith.constant 1 : i32
    scf.for %scan3A_122 = %scan3A_16 to %scan3A_18 step %scan3A_19  : i32 {
      %mul3A_123 = arith.constant 2 : i32
      %mul3A_124 = arith.muli %scan3A_122, %mul3A_123 : i32
      %add3A_125 = arith.constant 0 : i32
      %add3A_126 = arith.addi %mul3A_124, %add3A_125 : i32
      %mul3A_127 = arith.constant 256 : i32
      %mul3A_128 = arith.muli %add3A_126, %mul3A_127 : i32
      %dma_wait3A_129 = tpu.memref_slice %arg5[%mul3A_128] : memref<25600xi32, #tpu.memory_space<vmem>> -> memref<256xi32, #tpu.memory_space<vmem>>
      %dma_wait3A_130 = arith.constant 0 : i32
      %dma_wait3A_131 = arith.constant 0 : i32
      %dma_wait3A_132 = tpu.memref_slice %arg3[%dma_wait3A_130, %dma_wait3A_131] : memref<2000000x64xf32, #tpu.memory_space<hbm>> -> memref<2000000x64xf32, #tpu.memory_space<hbm>>
      tpu.wait_indirect_dma semaphore(%arg10 : memref<!tpu.dma_semaphore, #tpu.memory_space<semaphore_mem>>) src(%dma_wait3A_132 : memref<2000000x64xf32, #tpu.memory_space<hbm>>) dst(%arg6 : memref<256x64xf32, #tpu.memory_space<vmem>>)
      %ge3A = arith.constant 2 : i32
      %ge3A_133 = arith.cmpi sge, %add3A_126, %ge3A : i32
      %convert_element_type3A = arith.extui %ge3A_133 : i1 to i32
      %cond3A = arith.constant 0 : i32
      %cond3A_134 = arith.cmpi ne, %convert_element_type3A, %cond3A : i32
      scf.if %cond3A_134 {
        %sub3A_280 = arith.constant 2 : i32
        %sub3A_281 = arith.subi %add3A_126, %sub3A_280 : i32
        %add3A_282 = arith.addi %mul3A_2, %sub3A_281 : i32
        %jit3A_283 = arith.constant 16 : i32
        %div3A_284 = arith.divsi %add3A_282, %jit3A_283 : i32
        %sign3A_285 = arith.constant 0 : i32
        %sign3A_286 = arith.cmpi sgt, %add3A_282, %sign3A_285 : i32
        %sign3A_287 = arith.extui %sign3A_286 : i1 to i32
        %sign3A_288 = arith.constant 0 : i32
        %sign3A_289 = arith.cmpi slt, %add3A_282, %sign3A_288 : i32
        %sign3A_290 = arith.extui %sign3A_289 : i1 to i32
        %sign3A_291 = arith.subi %sign3A_287, %sign3A_290 : i32
        %sign3A_292 = arith.constant 0 : i32
        %sign3A_293 = arith.cmpi sgt, %jit3A_283, %sign3A_292 : i32
        %sign3A_294 = arith.extui %sign3A_293 : i1 to i32
        %sign3A_295 = arith.constant 0 : i32
        %sign3A_296 = arith.cmpi slt, %jit3A_283, %sign3A_295 : i32
        %sign3A_297 = arith.extui %sign3A_296 : i1 to i32
        %sign3A_298 = arith.subi %sign3A_294, %sign3A_297 : i32
        %ne3A_299 = arith.cmpi ne, %sign3A_291, %sign3A_298 : i32
        %rem3A_300 = arith.remsi %add3A_282, %jit3A_283 : i32
        %ne3A_301 = arith.constant 0 : i32
        %ne3A_302 = arith.cmpi ne, %rem3A_300, %ne3A_301 : i32
        %and3A_303 = arith.andi %ne3A_299, %ne3A_302 : i1
        %sub3A_304 = arith.constant 1 : i32
        %sub3A_305 = arith.subi %div3A_284, %sub3A_304 : i32
        %select_n3A_306 = arith.select %and3A_303, %sub3A_305, %div3A_284 : i32
        %jit3A_307 = arith.constant 16 : i32
        %eq3A_308 = arith.constant 0 : i32
        %eq3A_309 = arith.cmpi eq, %jit3A_307, %eq3A_308 : i32
        %jit3A_310 = arith.constant 1 : i32
        %select_n3A_311 = arith.select %eq3A_309, %jit3A_310, %jit3A_307 : i32
        %rem3A_312 = arith.remsi %add3A_282, %select_n3A_311 : i32
        %ne3A_313 = arith.constant 0 : i32
        %ne3A_314 = arith.cmpi ne, %rem3A_312, %ne3A_313 : i32
        %lt3A_315 = arith.constant 0 : i32
        %lt3A_316 = arith.cmpi slt, %rem3A_312, %lt3A_315 : i32
        %lt3A_317 = arith.constant 0 : i32
        %lt3A_318 = arith.cmpi slt, %select_n3A_311, %lt3A_317 : i32
        %ne3A_319 = arith.xori %lt3A_316, %lt3A_318 : i1
        %and3A_320 = arith.andi %ne3A_319, %ne3A_314 : i1
        %add3A_321 = arith.addi %rem3A_312, %select_n3A_311 : i32
        %select_n3A_322 = arith.select %and3A_320, %add3A_321, %rem3A_312 : i32
        %mul3A_323 = arith.constant 256 : i32
        %mul3A_324 = arith.muli %select_n3A_322, %mul3A_323 : i32
        %dma_wait3A_325 = arith.constant 0 : i32
        %dma_wait3A_326 = arith.constant 0 : i32
        %dma_wait3A_327 = tpu.memref_slice %arg8[%dma_wait3A_325, %dma_wait3A_326] : memref<64x257xf32, #tpu.memory_space<vmem>> -> memref<64x256xf32, #tpu.memory_space<vmem>>
        %dma_wait3A_328 = arith.constant 0 : i32
        %dma_wait3A_329 = tpu.memref_slice %arg4[%select_n3A_306, %dma_wait3A_328, %mul3A_324] : memref<200x64x4096xf32, #tpu.memory_space<hbm>> -> memref<1x64x256xf32, #tpu.memory_space<hbm>>
        %dma_wait3A_330 = tpu.memref_squeeze %dma_wait3A_329 : memref<1x64x256xf32, #tpu.memory_space<hbm>> -> memref<64x256xf32, #tpu.memory_space<hbm>>
        %dma_wait3A_331 = arith.constant 0 : i32
        %dma_wait3A_332 = tpu.memref_slice %arg4[%select_n3A_306, %dma_wait3A_331, %mul3A_324] : memref<200x64x4096xf32, #tpu.memory_space<hbm>> -> memref<1x64x256xf32, #tpu.memory_space<hbm>>
        %dma_wait3A_333 = tpu.memref_squeeze %dma_wait3A_332 : memref<1x64x256xf32, #tpu.memory_space<hbm>> -> memref<64x256xf32, #tpu.memory_space<hbm>>
        %dma_wait3A_334 = arith.constant 0 : i32
        %dma_wait3A_335 = arith.constant 0 : i32
        %dma_wait3A_336 = tpu.memref_slice %arg8[%dma_wait3A_334, %dma_wait3A_335] : memref<64x257xf32, #tpu.memory_space<vmem>> -> memref<64x256xf32, #tpu.memory_space<vmem>>
        tpu.wait_dma2 semaphore(%arg12 : memref<!tpu.dma_semaphore, #tpu.memory_space<semaphore_mem>>) src(%dma_wait3A_336 : memref<64x256xf32, #tpu.memory_space<vmem>>) dst(%dma_wait3A_333 : memref<64x256xf32, #tpu.memory_space<hbm>>)
      } else {
      }
      %parallel_loop3A_135 = arith.constant 0 : i32
      %parallel_loop3A_136 = arith.constant 1024 : i32
      %parallel_loop3A_137 = arith.constant 1 : i32
      scf.for %parallel_loop3A_280 = %parallel_loop3A_135 to %parallel_loop3A_136 step %parallel_loop3A_137  : i32 {
        %parallel_loop3A_281 = arith.constant 2 : i32
        %parallel_loop3A_282 = arith.shrsi %parallel_loop3A_280, %parallel_loop3A_281 : i32
        %parallel_loop3A_283 = arith.constant 3 : i32
        %parallel_loop3A_284 = arith.andi %parallel_loop3A_280, %parallel_loop3A_283 : i32
        %parallel_loop3A_285 = arith.constant 16 : i32
        %parallel_loop3A_286 = arith.muli %parallel_loop3A_284, %parallel_loop3A_285 : i32
        %parallel_loop3A_287 = arith.index_cast %parallel_loop3A_282 : i32 to index
        %parallel_loop3A_288 = arith.index_cast %parallel_loop3A_286 : i32 to index
        %parallel_loop3A_289 = tpu.vector_load %arg6[%parallel_loop3A_287, %parallel_loop3A_288] {strides = array<i32>} : memref<256x64xf32, #tpu.memory_space<vmem>>, vector<16xf32>,
        %parallel_loop3A_290 = arith.constant 8.000000e+00 : f32
        %parallel_loop3A_291 = vector.broadcast %parallel_loop3A_290 : f32 to vector<16xf32>
        %parallel_loop3A_292 = arith.mulf %parallel_loop3A_289, %parallel_loop3A_291 : vector<16xf32>
        %parallel_loop3A_293 = arith.constant 16 : i32
        %parallel_loop3A_294 = arith.muli %parallel_loop3A_284, %parallel_loop3A_293 : i32
        %parallel_loop3A_295 = vector.broadcast %parallel_loop3A_294 : i32 to vector<16xi32>
        %parallel_loop3A_296 = arith.addi %iota3A, %parallel_loop3A_295 : vector<16xi32>
        %parallel_loop3A_297 = arith.constant 1 : i32
        %parallel_loop3A_298 = vector.broadcast %parallel_loop3A_297 : i32 to vector<16xi32>
        %parallel_loop3A_299 = vector.broadcast %parallel_loop3A_282 : i32 to vector<16xi32>
        %parallel_loop3A_300 = arith.muli %parallel_loop3A_298, %parallel_loop3A_299 : vector<16xi32>
        tpu.vector_store_idx %arg8[%parallel_loop3A_296, %parallel_loop3A_300], %parallel_loop3A_292 : memref<64x257xf32, #tpu.memory_space<vmem>>[vector<16xi32>, vector<16xi32>], vector<16xf32>,
      } {sc.loop_unroll_factor = 8 : i64, sc.parallel_access}
      %add3A_138 = arith.addi %mul3A_2, %add3A_126 : i32
      %jit3A_139 = arith.constant 16 : i32
      %div3A_140 = arith.divsi %add3A_138, %jit3A_139 : i32
      %sign3A_141 = arith.constant 0 : i32
      %sign3A_142 = arith.cmpi sgt, %add3A_138, %sign3A_141 : i32
      %sign3A_143 = arith.extui %sign3A_142 : i1 to i32
      %sign3A_144 = arith.constant 0 : i32
      %sign3A_145 = arith.cmpi slt, %add3A_138, %sign3A_144 : i32
      %sign3A_146 = arith.extui %sign3A_145 : i1 to i32
      %sign3A_147 = arith.subi %sign3A_143, %sign3A_146 : i32
      %sign3A_148 = arith.constant 0 : i32
      %sign3A_149 = arith.cmpi sgt, %jit3A_139, %sign3A_148 : i32
      %sign3A_150 = arith.extui %sign3A_149 : i1 to i32
      %sign3A_151 = arith.constant 0 : i32
      %sign3A_152 = arith.cmpi slt, %jit3A_139, %sign3A_151 : i32
      %sign3A_153 = arith.extui %sign3A_152 : i1 to i32
      %sign3A_154 = arith.subi %sign3A_150, %sign3A_153 : i32
      %ne3A_155 = arith.cmpi ne, %sign3A_147, %sign3A_154 : i32
      %rem3A_156 = arith.remsi %add3A_138, %jit3A_139 : i32
      %ne3A_157 = arith.constant 0 : i32
      %ne3A_158 = arith.cmpi ne, %rem3A_156, %ne3A_157 : i32
      %and3A_159 = arith.andi %ne3A_155, %ne3A_158 : i1
      %sub3A_160 = arith.constant 1 : i32
      %sub3A_161 = arith.subi %div3A_140, %sub3A_160 : i32
      %select_n3A_162 = arith.select %and3A_159, %sub3A_161, %div3A_140 : i32
      %jit3A_163 = arith.constant 16 : i32
      %eq3A_164 = arith.constant 0 : i32
      %eq3A_165 = arith.cmpi eq, %jit3A_163, %eq3A_164 : i32
      %jit3A_166 = arith.constant 1 : i32
      %select_n3A_167 = arith.select %eq3A_165, %jit3A_166, %jit3A_163 : i32
      %rem3A_168 = arith.remsi %add3A_138, %select_n3A_167 : i32
      %ne3A_169 = arith.constant 0 : i32
      %ne3A_170 = arith.cmpi ne, %rem3A_168, %ne3A_169 : i32
      %lt3A_171 = arith.constant 0 : i32
      %lt3A_172 = arith.cmpi slt, %rem3A_168, %lt3A_171 : i32
      %lt3A_173 = arith.constant 0 : i32
      %lt3A_174 = arith.cmpi slt, %select_n3A_167, %lt3A_173 : i32
      %ne3A_175 = arith.xori %lt3A_172, %lt3A_174 : i1
      %and3A_176 = arith.andi %ne3A_175, %ne3A_170 : i1
      %add3A_177 = arith.addi %rem3A_168, %select_n3A_167 : i32
      %select_n3A_178 = arith.select %and3A_176, %add3A_177, %rem3A_168 : i32
      %mul3A_179 = arith.constant 256 : i32
      %mul3A_180 = arith.muli %select_n3A_178, %mul3A_179 : i32
      %dma_start3A_181 = arith.constant 0 : i32
      %dma_start3A_182 = arith.constant 0 : i32
      %dma_start3A_183 = tpu.memref_slice %arg8[%dma_start3A_181, %dma_start3A_182] : memref<64x257xf32, #tpu.memory_space<vmem>> -> memref<64x256xf32, #tpu.memory_space<vmem>>
      %dma_start3A_184 = arith.constant 0 : i32
      %dma_start3A_185 = tpu.memref_slice %arg4[%select_n3A_162, %dma_start3A_184, %mul3A_180] : memref<200x64x4096xf32, #tpu.memory_space<hbm>> -> memref<1x64x256xf32, #tpu.memory_space<hbm>>
      %dma_start3A_186 = tpu.memref_squeeze %dma_start3A_185 : memref<1x64x256xf32, #tpu.memory_space<hbm>> -> memref<64x256xf32, #tpu.memory_space<hbm>>
      %dma_start3A_187 = arith.constant 0 : i32
      %dma_start3A_188 = tpu.memref_slice %arg4[%select_n3A_162, %dma_start3A_187, %mul3A_180] : memref<200x64x4096xf32, #tpu.memory_space<hbm>> -> memref<1x64x256xf32, #tpu.memory_space<hbm>>
      %dma_start3A_189 = tpu.memref_squeeze %dma_start3A_188 : memref<1x64x256xf32, #tpu.memory_space<hbm>> -> memref<64x256xf32, #tpu.memory_space<hbm>>
      %dma_start3A_190 = arith.constant 0 : i32
      %dma_start3A_191 = arith.constant 0 : i32
      %dma_start3A_192 = tpu.memref_slice %arg8[%dma_start3A_190, %dma_start3A_191] : memref<64x257xf32, #tpu.memory_space<vmem>> -> memref<64x256xf32, #tpu.memory_space<vmem>>
      tpu.enqueue_dma source(%dma_start3A_192 : memref<64x256xf32, #tpu.memory_space<vmem>>) target(%dma_start3A_189 : memref<64x256xf32, #tpu.memory_space<hbm>>) target_semaphore(%arg12 : memref<!tpu.dma_semaphore, #tpu.memory_space<semaphore_mem>>)
      %add3A_193 = arith.constant 2 : i32
      %add3A_194 = arith.addi %add3A_126, %add3A_193 : i32
      %lt3A_195 = arith.constant 100 : i32
      %lt3A_196 = arith.cmpi slt, %add3A_194, %lt3A_195 : i32
      %convert_element_type3A_197 = arith.extui %lt3A_196 : i1 to i32
      %cond3A_198 = arith.constant 0 : i32
      %cond3A_199 = arith.cmpi ne, %convert_element_type3A_197, %cond3A_198 : i32
      scf.if %cond3A_199 {
        %add3A_280 = arith.constant 2 : i32
        %add3A_281 = arith.addi %add3A_126, %add3A_280 : i32
        %mul3A_282 = arith.constant 256 : i32
        %mul3A_283 = arith.muli %add3A_281, %mul3A_282 : i32
        %dma_start3A_284 = tpu.memref_slice %arg5[%mul3A_283] : memref<25600xi32, #tpu.memory_space<vmem>> -> memref<256xi32, #tpu.memory_space<vmem>>
        %dma_start3A_285 = arith.constant 0 : i32
        %dma_start3A_286 = arith.constant 0 : i32
        %dma_start3A_287 = tpu.memref_slice %arg3[%dma_start3A_285, %dma_start3A_286] : memref<2000000x64xf32, #tpu.memory_space<hbm>> -> memref<2000000x64xf32, #tpu.memory_space<hbm>>
        tpu.enqueue_indirect_dma source(%dma_start3A_287 : memref<2000000x64xf32, #tpu.memory_space<hbm>>) target(%arg6 : memref<256x64xf32, #tpu.memory_space<vmem>>) offsets(%dma_start3A_284 : memref<256xi32, #tpu.memory_space<vmem>>) semaphore(%arg10 : memref<!tpu.dma_semaphore, #tpu.memory_space<semaphore_mem>>)
      } else {
      }
      %mul3A_200 = arith.constant 2 : i32
      %mul3A_201 = arith.muli %scan3A_122, %mul3A_200 : i32
      %add3A_202 = arith.constant 1 : i32
      %add3A_203 = arith.addi %mul3A_201, %add3A_202 : i32
      %mul3A_204 = arith.constant 256 : i32
      %mul3A_205 = arith.muli %add3A_203, %mul3A_204 : i32
      %dma_wait3A_206 = tpu.memref_slice %arg5[%mul3A_205] : memref<25600xi32, #tpu.memory_space<vmem>> -> memref<256xi32, #tpu.memory_space<vmem>>
      %dma_wait3A_207 = arith.constant 0 : i32
      %dma_wait3A_208 = arith.constant 0 : i32
      %dma_wait3A_209 = tpu.memref_slice %arg3[%dma_wait3A_207, %dma_wait3A_208] : memref<2000000x64xf32, #tpu.memory_space<hbm>> -> memref<2000000x64xf32, #tpu.memory_space<hbm>>
      tpu.wait_indirect_dma semaphore(%arg11 : memref<!tpu.dma_semaphore, #tpu.memory_space<semaphore_mem>>) src(%dma_wait3A_209 : memref<2000000x64xf32, #tpu.memory_space<hbm>>) dst(%arg7 : memref<256x64xf32, #tpu.memory_space<vmem>>)
      %ge3A_210 = arith.constant 2 : i32
      %ge3A_211 = arith.cmpi sge, %add3A_203, %ge3A_210 : i32
      %convert_element_type3A_212 = arith.extui %ge3A_211 : i1 to i32
      %cond3A_213 = arith.constant 0 : i32
      %cond3A_214 = arith.cmpi ne, %convert_element_type3A_212, %cond3A_213 : i32
      scf.if %cond3A_214 {
        %sub3A_280 = arith.constant 2 : i32
        %sub3A_281 = arith.subi %add3A_203, %sub3A_280 : i32
        %add3A_282 = arith.addi %mul3A_2, %sub3A_281 : i32
        %jit3A_283 = arith.constant 16 : i32
        %div3A_284 = arith.divsi %add3A_282, %jit3A_283 : i32
        %sign3A_285 = arith.constant 0 : i32
        %sign3A_286 = arith.cmpi sgt, %add3A_282, %sign3A_285 : i32
        %sign3A_287 = arith.extui %sign3A_286 : i1 to i32
        %sign3A_288 = arith.constant 0 : i32
        %sign3A_289 = arith.cmpi slt, %add3A_282, %sign3A_288 : i32
        %sign3A_290 = arith.extui %sign3A_289 : i1 to i32
        %sign3A_291 = arith.subi %sign3A_287, %sign3A_290 : i32
        %sign3A_292 = arith.constant 0 : i32
        %sign3A_293 = arith.cmpi sgt, %jit3A_283, %sign3A_292 : i32
        %sign3A_294 = arith.extui %sign3A_293 : i1 to i32
        %sign3A_295 = arith.constant 0 : i32
        %sign3A_296 = arith.cmpi slt, %jit3A_283, %sign3A_295 : i32
        %sign3A_297 = arith.extui %sign3A_296 : i1 to i32
        %sign3A_298 = arith.subi %sign3A_294, %sign3A_297 : i32
        %ne3A_299 = arith.cmpi ne, %sign3A_291, %sign3A_298 : i32
        %rem3A_300 = arith.remsi %add3A_282, %jit3A_283 : i32
        %ne3A_301 = arith.constant 0 : i32
        %ne3A_302 = arith.cmpi ne, %rem3A_300, %ne3A_301 : i32
        %and3A_303 = arith.andi %ne3A_299, %ne3A_302 : i1
        %sub3A_304 = arith.constant 1 : i32
        %sub3A_305 = arith.subi %div3A_284, %sub3A_304 : i32
        %select_n3A_306 = arith.select %and3A_303, %sub3A_305, %div3A_284 : i32
        %jit3A_307 = arith.constant 16 : i32
        %eq3A_308 = arith.constant 0 : i32
        %eq3A_309 = arith.cmpi eq, %jit3A_307, %eq3A_308 : i32
        %jit3A_310 = arith.constant 1 : i32
        %select_n3A_311 = arith.select %eq3A_309, %jit3A_310, %jit3A_307 : i32
        %rem3A_312 = arith.remsi %add3A_282, %select_n3A_311 : i32
        %ne3A_313 = arith.constant 0 : i32
        %ne3A_314 = arith.cmpi ne, %rem3A_312, %ne3A_313 : i32
        %lt3A_315 = arith.constant 0 : i32
        %lt3A_316 = arith.cmpi slt, %rem3A_312, %lt3A_315 : i32
        %lt3A_317 = arith.constant 0 : i32
        %lt3A_318 = arith.cmpi slt, %select_n3A_311, %lt3A_317 : i32
        %ne3A_319 = arith.xori %lt3A_316, %lt3A_318 : i1
        %and3A_320 = arith.andi %ne3A_319, %ne3A_314 : i1
        %add3A_321 = arith.addi %rem3A_312, %select_n3A_311 : i32
        %select_n3A_322 = arith.select %and3A_320, %add3A_321, %rem3A_312 : i32
        %mul3A_323 = arith.constant 256 : i32
        %mul3A_324 = arith.muli %select_n3A_322, %mul3A_323 : i32
        %dma_wait3A_325 = arith.constant 0 : i32
        %dma_wait3A_326 = arith.constant 0 : i32
        %dma_wait3A_327 = tpu.memref_slice %arg9[%dma_wait3A_325, %dma_wait3A_326] : memref<64x257xf32, #tpu.memory_space<vmem>> -> memref<64x256xf32, #tpu.memory_space<vmem>>
        %dma_wait3A_328 = arith.constant 0 : i32
        %dma_wait3A_329 = tpu.memref_slice %arg4[%select_n3A_306, %dma_wait3A_328, %mul3A_324] : memref<200x64x4096xf32, #tpu.memory_space<hbm>> -> memref<1x64x256xf32, #tpu.memory_space<hbm>>
        %dma_wait3A_330 = tpu.memref_squeeze %dma_wait3A_329 : memref<1x64x256xf32, #tpu.memory_space<hbm>> -> memref<64x256xf32, #tpu.memory_space<hbm>>
        %dma_wait3A_331 = arith.constant 0 : i32
        %dma_wait3A_332 = tpu.memref_slice %arg4[%select_n3A_306, %dma_wait3A_331, %mul3A_324] : memref<200x64x4096xf32, #tpu.memory_space<hbm>> -> memref<1x64x256xf32, #tpu.memory_space<hbm>>
        %dma_wait3A_333 = tpu.memref_squeeze %dma_wait3A_332 : memref<1x64x256xf32, #tpu.memory_space<hbm>> -> memref<64x256xf32, #tpu.memory_space<hbm>>
        %dma_wait3A_334 = arith.constant 0 : i32
        %dma_wait3A_335 = arith.constant 0 : i32
        %dma_wait3A_336 = tpu.memref_slice %arg9[%dma_wait3A_334, %dma_wait3A_335] : memref<64x257xf32, #tpu.memory_space<vmem>> -> memref<64x256xf32, #tpu.memory_space<vmem>>
        tpu.wait_dma2 semaphore(%arg13 : memref<!tpu.dma_semaphore, #tpu.memory_space<semaphore_mem>>) src(%dma_wait3A_336 : memref<64x256xf32, #tpu.memory_space<vmem>>) dst(%dma_wait3A_333 : memref<64x256xf32, #tpu.memory_space<hbm>>)
      } else {
      }
      %parallel_loop3A_215 = arith.constant 0 : i32
      %parallel_loop3A_216 = arith.constant 1024 : i32
      %parallel_loop3A_217 = arith.constant 1 : i32
      scf.for %parallel_loop3A_280 = %parallel_loop3A_215 to %parallel_loop3A_216 step %parallel_loop3A_217  : i32 {
        %parallel_loop3A_281 = arith.constant 2 : i32
        %parallel_loop3A_282 = arith.shrsi %parallel_loop3A_280, %parallel_loop3A_281 : i32
        %parallel_loop3A_283 = arith.constant 3 : i32
        %parallel_loop3A_284 = arith.andi %parallel_loop3A_280, %parallel_loop3A_283 : i32
        %parallel_loop3A_285 = arith.constant 16 : i32
        %parallel_loop3A_286 = arith.muli %parallel_loop3A_284, %parallel_loop3A_285 : i32
        %parallel_loop3A_287 = arith.index_cast %parallel_loop3A_282 : i32 to index
        %parallel_loop3A_288 = arith.index_cast %parallel_loop3A_286 : i32 to index
        %parallel_loop3A_289 = tpu.vector_load %arg7[%parallel_loop3A_287, %parallel_loop3A_288] {strides = array<i32>} : memref<256x64xf32, #tpu.memory_space<vmem>>, vector<16xf32>,
        %parallel_loop3A_290 = arith.constant 8.000000e+00 : f32
        %parallel_loop3A_291 = vector.broadcast %parallel_loop3A_290 : f32 to vector<16xf32>
        %parallel_loop3A_292 = arith.mulf %parallel_loop3A_289, %parallel_loop3A_291 : vector<16xf32>
        %parallel_loop3A_293 = arith.constant 16 : i32
        %parallel_loop3A_294 = arith.muli %parallel_loop3A_284, %parallel_loop3A_293 : i32
        %parallel_loop3A_295 = vector.broadcast %parallel_loop3A_294 : i32 to vector<16xi32>
        %parallel_loop3A_296 = arith.addi %iota3A, %parallel_loop3A_295 : vector<16xi32>
        %parallel_loop3A_297 = arith.constant 1 : i32
        %parallel_loop3A_298 = vector.broadcast %parallel_loop3A_297 : i32 to vector<16xi32>
        %parallel_loop3A_299 = vector.broadcast %parallel_loop3A_282 : i32 to vector<16xi32>
        %parallel_loop3A_300 = arith.muli %parallel_loop3A_298, %parallel_loop3A_299 : vector<16xi32>
        tpu.vector_store_idx %arg9[%parallel_loop3A_296, %parallel_loop3A_300], %parallel_loop3A_292 : memref<64x257xf32, #tpu.memory_space<vmem>>[vector<16xi32>, vector<16xi32>], vector<16xf32>,
      } {sc.loop_unroll_factor = 8 : i64, sc.parallel_access}
      %add3A_218 = arith.addi %mul3A_2, %add3A_203 : i32
      %jit3A_219 = arith.constant 16 : i32
      %div3A_220 = arith.divsi %add3A_218, %jit3A_219 : i32
      %sign3A_221 = arith.constant 0 : i32
      %sign3A_222 = arith.cmpi sgt, %add3A_218, %sign3A_221 : i32
      %sign3A_223 = arith.extui %sign3A_222 : i1 to i32
      %sign3A_224 = arith.constant 0 : i32
      %sign3A_225 = arith.cmpi slt, %add3A_218, %sign3A_224 : i32
      %sign3A_226 = arith.extui %sign3A_225 : i1 to i32
      %sign3A_227 = arith.subi %sign3A_223, %sign3A_226 : i32
      %sign3A_228 = arith.constant 0 : i32
      %sign3A_229 = arith.cmpi sgt, %jit3A_219, %sign3A_228 : i32
      %sign3A_230 = arith.extui %sign3A_229 : i1 to i32
      %sign3A_231 = arith.constant 0 : i32
      %sign3A_232 = arith.cmpi slt, %jit3A_219, %sign3A_231 : i32
      %sign3A_233 = arith.extui %sign3A_232 : i1 to i32
      %sign3A_234 = arith.subi %sign3A_230, %sign3A_233 : i32
      %ne3A_235 = arith.cmpi ne, %sign3A_227, %sign3A_234 : i32
      %rem3A_236 = arith.remsi %add3A_218, %jit3A_219 : i32
      %ne3A_237 = arith.constant 0 : i32
      %ne3A_238 = arith.cmpi ne, %rem3A_236, %ne3A_237 : i32
      %and3A_239 = arith.andi %ne3A_235, %ne3A_238 : i1
      %sub3A_240 = arith.constant 1 : i32
      %sub3A_241 = arith.subi %div3A_220, %sub3A_240 : i32
      %select_n3A_242 = arith.select %and3A_239, %sub3A_241, %div3A_220 : i32
      %jit3A_243 = arith.constant 16 : i32
      %eq3A_244 = arith.constant 0 : i32
      %eq3A_245 = arith.cmpi eq, %jit3A_243, %eq3A_244 : i32
      %jit3A_246 = arith.constant 1 : i32
      %select_n3A_247 = arith.select %eq3A_245, %jit3A_246, %jit3A_243 : i32
      %rem3A_248 = arith.remsi %add3A_218, %select_n3A_247 : i32
      %ne3A_249 = arith.constant 0 : i32
      %ne3A_250 = arith.cmpi ne, %rem3A_248, %ne3A_249 : i32
      %lt3A_251 = arith.constant 0 : i32
      %lt3A_252 = arith.cmpi slt, %rem3A_248, %lt3A_251 : i32
      %lt3A_253 = arith.constant 0 : i32
      %lt3A_254 = arith.cmpi slt, %select_n3A_247, %lt3A_253 : i32
      %ne3A_255 = arith.xori %lt3A_252, %lt3A_254 : i1
      %and3A_256 = arith.andi %ne3A_255, %ne3A_250 : i1
      %add3A_257 = arith.addi %rem3A_248, %select_n3A_247 : i32
      %select_n3A_258 = arith.select %and3A_256, %add3A_257, %rem3A_248 : i32
      %mul3A_259 = arith.constant 256 : i32
      %mul3A_260 = arith.muli %select_n3A_258, %mul3A_259 : i32
      %dma_start3A_261 = arith.constant 0 : i32
      %dma_start3A_262 = arith.constant 0 : i32
      %dma_start3A_263 = tpu.memref_slice %arg9[%dma_start3A_261, %dma_start3A_262] : memref<64x257xf32, #tpu.memory_space<vmem>> -> memref<64x256xf32, #tpu.memory_space<vmem>>
      %dma_start3A_264 = arith.constant 0 : i32
      %dma_start3A_265 = tpu.memref_slice %arg4[%select_n3A_242, %dma_start3A_264, %mul3A_260] : memref<200x64x4096xf32, #tpu.memory_space<hbm>> -> memref<1x64x256xf32, #tpu.memory_space<hbm>>
      %dma_start3A_266 = tpu.memref_squeeze %dma_start3A_265 : memref<1x64x256xf32, #tpu.memory_space<hbm>> -> memref<64x256xf32, #tpu.memory_space<hbm>>
      %dma_start3A_267 = arith.constant 0 : i32
      %dma_start3A_268 = tpu.memref_slice %arg4[%select_n3A_242, %dma_start3A_267, %mul3A_260] : memref<200x64x4096xf32, #tpu.memory_space<hbm>> -> memref<1x64x256xf32, #tpu.memory_space<hbm>>
      %dma_start3A_269 = tpu.memref_squeeze %dma_start3A_268 : memref<1x64x256xf32, #tpu.memory_space<hbm>> -> memref<64x256xf32, #tpu.memory_space<hbm>>
      %dma_start3A_270 = arith.constant 0 : i32
      %dma_start3A_271 = arith.constant 0 : i32
      %dma_start3A_272 = tpu.memref_slice %arg9[%dma_start3A_270, %dma_start3A_271] : memref<64x257xf32, #tpu.memory_space<vmem>> -> memref<64x256xf32, #tpu.memory_space<vmem>>
      tpu.enqueue_dma source(%dma_start3A_272 : memref<64x256xf32, #tpu.memory_space<vmem>>) target(%dma_start3A_269 : memref<64x256xf32, #tpu.memory_space<hbm>>) target_semaphore(%arg13 : memref<!tpu.dma_semaphore, #tpu.memory_space<semaphore_mem>>)
      %add3A_273 = arith.constant 2 : i32
      %add3A_274 = arith.addi %add3A_203, %add3A_273 : i32
      %lt3A_275 = arith.constant 100 : i32
      %lt3A_276 = arith.cmpi slt, %add3A_274, %lt3A_275 : i32
      %convert_element_type3A_277 = arith.extui %lt3A_276 : i1 to i32
      %cond3A_278 = arith.constant 0 : i32
      %cond3A_279 = arith.cmpi ne, %convert_element_type3A_277, %cond3A_278 : i32
      scf.if %cond3A_279 {
        %add3A_280 = arith.constant 2 : i32
        %add3A_281 = arith.addi %add3A_203, %add3A_280 : i32
        %mul3A_282 = arith.constant 256 : i32
        %mul3A_283 = arith.muli %add3A_281, %mul3A_282 : i32
        %dma_start3A_284 = tpu.memref_slice %arg5[%mul3A_283] : memref<25600xi32, #tpu.memory_space<vmem>> -> memref<256xi32, #tpu.memory_space<vmem>>
        %dma_start3A_285 = arith.constant 0 : i32
        %dma_start3A_286 = arith.constant 0 : i32
        %dma_start3A_287 = tpu.memref_slice %arg3[%dma_start3A_285, %dma_start3A_286] : memref<2000000x64xf32, #tpu.memory_space<hbm>> -> memref<2000000x64xf32, #tpu.memory_space<hbm>>
        tpu.enqueue_indirect_dma source(%dma_start3A_287 : memref<2000000x64xf32, #tpu.memory_space<hbm>>) target(%arg7 : memref<256x64xf32, #tpu.memory_space<vmem>>) offsets(%dma_start3A_284 : memref<256xi32, #tpu.memory_space<vmem>>) semaphore(%arg11 : memref<!tpu.dma_semaphore, #tpu.memory_space<semaphore_mem>>)
      } else {
      }
    }
    %scan3A_20 = arith.constant 50 : i32
    %add3A_21 = arith.constant 98 : i32
    %add3A_22 = arith.addi %mul3A_2, %add3A_21 : i32
    %jit3A = arith.constant 16 : i32
    %div3A = arith.divsi %add3A_22, %jit3A : i32
    %sign3A = arith.constant 0 : i32
    %sign3A_23 = arith.cmpi sgt, %add3A_22, %sign3A : i32
    %sign3A_24 = arith.extui %sign3A_23 : i1 to i32
    %sign3A_25 = arith.constant 0 : i32
    %sign3A_26 = arith.cmpi slt, %add3A_22, %sign3A_25 : i32
    %sign3A_27 = arith.extui %sign3A_26 : i1 to i32
    %sign3A_28 = arith.subi %sign3A_24, %sign3A_27 : i32
    %sign3A_29 = arith.constant 0 : i32
    %sign3A_30 = arith.cmpi sgt, %jit3A, %sign3A_29 : i32
    %sign3A_31 = arith.extui %sign3A_30 : i1 to i32
    %sign3A_32 = arith.constant 0 : i32
    %sign3A_33 = arith.cmpi slt, %jit3A, %sign3A_32 : i32
    %sign3A_34 = arith.extui %sign3A_33 : i1 to i32
    %sign3A_35 = arith.subi %sign3A_31, %sign3A_34 : i32
    %ne3A = arith.cmpi ne, %sign3A_28, %sign3A_35 : i32
    %rem3A = arith.remsi %add3A_22, %jit3A : i32
    %ne3A_36 = arith.constant 0 : i32
    %ne3A_37 = arith.cmpi ne, %rem3A, %ne3A_36 : i32
    %and3A = arith.andi %ne3A, %ne3A_37 : i1
    %sub3A = arith.constant 1 : i32
    %sub3A_38 = arith.subi %div3A, %sub3A : i32
    %select_n3A = arith.select %and3A, %sub3A_38, %div3A : i32
    %jit3A_39 = arith.constant 16 : i32
    %eq3A = arith.constant 0 : i32
    %eq3A_40 = arith.cmpi eq, %jit3A_39, %eq3A : i32
    %jit3A_41 = arith.constant 1 : i32
    %select_n3A_42 = arith.select %eq3A_40, %jit3A_41, %jit3A_39 : i32
    %rem3A_43 = arith.remsi %add3A_22, %select_n3A_42 : i32
    %ne3A_44 = arith.constant 0 : i32
    %ne3A_45 = arith.cmpi ne, %rem3A_43, %ne3A_44 : i32
    %lt3A = arith.constant 0 : i32
    %lt3A_46 = arith.cmpi slt, %rem3A_43, %lt3A : i32
    %lt3A_47 = arith.constant 0 : i32
    %lt3A_48 = arith.cmpi slt, %select_n3A_42, %lt3A_47 : i32
    %ne3A_49 = arith.xori %lt3A_46, %lt3A_48 : i1
    %and3A_50 = arith.andi %ne3A_49, %ne3A_45 : i1
    %add3A_51 = arith.addi %rem3A_43, %select_n3A_42 : i32
    %select_n3A_52 = arith.select %and3A_50, %add3A_51, %rem3A_43 : i32
    %mul3A_53 = arith.constant 256 : i32
    %mul3A_54 = arith.muli %select_n3A_52, %mul3A_53 : i32
    %dma_wait3A = arith.constant 0 : i32
    %dma_wait3A_55 = arith.constant 0 : i32
    %dma_wait3A_56 = tpu.memref_slice %arg8[%dma_wait3A, %dma_wait3A_55] : memref<64x257xf32, #tpu.memory_space<vmem>> -> memref<64x256xf32, #tpu.memory_space<vmem>>
    %dma_wait3A_57 = arith.constant 0 : i32
    %dma_wait3A_58 = tpu.memref_slice %arg4[%select_n3A, %dma_wait3A_57, %mul3A_54] : memref<200x64x4096xf32, #tpu.memory_space<hbm>> -> memref<1x64x256xf32, #tpu.memory_space<hbm>>
    %dma_wait3A_59 = tpu.memref_squeeze %dma_wait3A_58 : memref<1x64x256xf32, #tpu.memory_space<hbm>> -> memref<64x256xf32, #tpu.memory_space<hbm>>
    %dma_wait3A_60 = arith.constant 0 : i32
    %dma_wait3A_61 = tpu.memref_slice %arg4[%select_n3A, %dma_wait3A_60, %mul3A_54] : memref<200x64x4096xf32, #tpu.memory_space<hbm>> -> memref<1x64x256xf32, #tpu.memory_space<hbm>>
    %dma_wait3A_62 = tpu.memref_squeeze %dma_wait3A_61 : memref<1x64x256xf32, #tpu.memory_space<hbm>> -> memref<64x256xf32, #tpu.memory_space<hbm>>
    %dma_wait3A_63 = arith.constant 0 : i32
    %dma_wait3A_64 = arith.constant 0 : i32
    %dma_wait3A_65 = tpu.memref_slice %arg8[%dma_wait3A_63, %dma_wait3A_64] : memref<64x257xf32, #tpu.memory_space<vmem>> -> memref<64x256xf32, #tpu.memory_space<vmem>>
    tpu.wait_dma2 semaphore(%arg12 : memref<!tpu.dma_semaphore, #tpu.memory_space<semaphore_mem>>) src(%dma_wait3A_65 : memref<64x256xf32, #tpu.memory_space<vmem>>) dst(%dma_wait3A_62 : memref<64x256xf32, #tpu.memory_space<hbm>>)
    %add3A_66 = arith.constant 99 : i32
    %add3A_67 = arith.addi %mul3A_2, %add3A_66 : i32
    %jit3A_68 = arith.constant 16 : i32
    %div3A_69 = arith.divsi %add3A_67, %jit3A_68 : i32
    %sign3A_70 = arith.constant 0 : i32
    %sign3A_71 = arith.cmpi sgt, %add3A_67, %sign3A_70 : i32
    %sign3A_72 = arith.extui %sign3A_71 : i1 to i32
    %sign3A_73 = arith.constant 0 : i32
    %sign3A_74 = arith.cmpi slt, %add3A_67, %sign3A_73 : i32
    %sign3A_75 = arith.extui %sign3A_74 : i1 to i32
    %sign3A_76 = arith.subi %sign3A_72, %sign3A_75 : i32
    %sign3A_77 = arith.constant 0 : i32
    %sign3A_78 = arith.cmpi sgt, %jit3A_68, %sign3A_77 : i32
    %sign3A_79 = arith.extui %sign3A_78 : i1 to i32
    %sign3A_80 = arith.constant 0 : i32
    %sign3A_81 = arith.cmpi slt, %jit3A_68, %sign3A_80 : i32
    %sign3A_82 = arith.extui %sign3A_81 : i1 to i32
    %sign3A_83 = arith.subi %sign3A_79, %sign3A_82 : i32
    %ne3A_84 = arith.cmpi ne, %sign3A_76, %sign3A_83 : i32
    %rem3A_85 = arith.remsi %add3A_67, %jit3A_68 : i32
    %ne3A_86 = arith.constant 0 : i32
    %ne3A_87 = arith.cmpi ne, %rem3A_85, %ne3A_86 : i32
    %and3A_88 = arith.andi %ne3A_84, %ne3A_87 : i1
    %sub3A_89 = arith.constant 1 : i32
    %sub3A_90 = arith.subi %div3A_69, %sub3A_89 : i32
    %select_n3A_91 = arith.select %and3A_88, %sub3A_90, %div3A_69 : i32
    %jit3A_92 = arith.constant 16 : i32
    %eq3A_93 = arith.constant 0 : i32
    %eq3A_94 = arith.cmpi eq, %jit3A_92, %eq3A_93 : i32
    %jit3A_95 = arith.constant 1 : i32
    %select_n3A_96 = arith.select %eq3A_94, %jit3A_95, %jit3A_92 : i32
    %rem3A_97 = arith.remsi %add3A_67, %select_n3A_96 : i32
    %ne3A_98 = arith.constant 0 : i32
    %ne3A_99 = arith.cmpi ne, %rem3A_97, %ne3A_98 : i32
    %lt3A_100 = arith.constant 0 : i32
    %lt3A_101 = arith.cmpi slt, %rem3A_97, %lt3A_100 : i32
    %lt3A_102 = arith.constant 0 : i32
    %lt3A_103 = arith.cmpi slt, %select_n3A_96, %lt3A_102 : i32
    %ne3A_104 = arith.xori %lt3A_101, %lt3A_103 : i1
    %and3A_105 = arith.andi %ne3A_104, %ne3A_99 : i1
    %add3A_106 = arith.addi %rem3A_97, %select_n3A_96 : i32
    %select_n3A_107 = arith.select %and3A_105, %add3A_106, %rem3A_97 : i32
    %mul3A_108 = arith.constant 256 : i32
    %mul3A_109 = arith.muli %select_n3A_107, %mul3A_108 : i32
    %dma_wait3A_110 = arith.constant 0 : i32
    %dma_wait3A_111 = arith.constant 0 : i32
    %dma_wait3A_112 = tpu.memref_slice %arg9[%dma_wait3A_110, %dma_wait3A_111] : memref<64x257xf32, #tpu.memory_space<vmem>> -> memref<64x256xf32, #tpu.memory_space<vmem>>
    %dma_wait3A_113 = arith.constant 0 : i32
    %dma_wait3A_114 = tpu.memref_slice %arg4[%select_n3A_91, %dma_wait3A_113, %mul3A_109] : memref<200x64x4096xf32, #tpu.memory_space<hbm>> -> memref<1x64x256xf32, #tpu.memory_space<hbm>>
    %dma_wait3A_115 = tpu.memref_squeeze %dma_wait3A_114 : memref<1x64x256xf32, #tpu.memory_space<hbm>> -> memref<64x256xf32, #tpu.memory_space<hbm>>
    %dma_wait3A_116 = arith.constant 0 : i32
    %dma_wait3A_117 = tpu.memref_slice %arg4[%select_n3A_91, %dma_wait3A_116, %mul3A_109] : memref<200x64x4096xf32, #tpu.memory_space<hbm>> -> memref<1x64x256xf32, #tpu.memory_space<hbm>>
    %dma_wait3A_118 = tpu.memref_squeeze %dma_wait3A_117 : memref<1x64x256xf32, #tpu.memory_space<hbm>> -> memref<64x256xf32, #tpu.memory_space<hbm>>
    %dma_wait3A_119 = arith.constant 0 : i32
    %dma_wait3A_120 = arith.constant 0 : i32
    %dma_wait3A_121 = tpu.memref_slice %arg9[%dma_wait3A_119, %dma_wait3A_120] : memref<64x257xf32, #tpu.memory_space<vmem>> -> memref<64x256xf32, #tpu.memory_space<vmem>>
    tpu.wait_dma2 semaphore(%arg13 : memref<!tpu.dma_semaphore, #tpu.memory_space<semaphore_mem>>) src(%dma_wait3A_121 : memref<64x256xf32, #tpu.memory_space<vmem>>) dst(%dma_wait3A_118 : memref<64x256xf32, #tpu.memory_space<hbm>>)
    return
  }
}

</mosaic_0001>

<sc_bundles>
// kernel: _embedding.3.cloned.1.call-start
scs
__scs_entry_jumppad:
0x0: {  	(pc) =	sbr.rel $0x88, $3  }
0x1: {  	(tag) =	ssettag $0x0;
	lr =	simm.s32 $0x1  }
0x2: {  	[smem:$0x3F9F] =	sst lr;
	_ =	strace $0xD0000000  }
0x3: {  	_ = 	snop  }
0x4: {  	_ = 	snop  }
0x5: {  	_ = 	snop  }
0x6: {  	_ = 	snop  }
0x7: {  	_ = 	snop  }
__scs_overlays_trampoline_lowered:
0x8: {  	[smem:$0x3FAE] =	sst s0  }
0x9: {  	[smem:$0x3FAF] =	sst s1  }
0xa: {  	[smem:$0x3FB0] =	sst s2  }
0xb: {  	[smem:$0x3FB1] =	sst s3  }
0xc: {  	[smem:$0x3FB2] =	sst s4  }
0xd: {  	[smem:$0x3FB3] =	sst s5  }
0xe: {  	[smem:$0x3FB4] =	sst s6  }
0xf: {  	[smem:$0x3FB5] =	sst s7  }
0x10: {  	[smem:$0x3FB6] =	sst s8  }
0x11: {  	[smem:$0x3FB7] =	sst s9;
	s0 =	simm.s32 @!p0 $0x0  }
0x12: {  	s1 =	sld [smem:$0x3F9D];
	s0 =	simm.s32 @p0 $0x1  }
0x13: {  	[smem:$0x3FB8] =	sst s0;
	s0 =	simm.s32 @!p1 $0x0  }
0x14: {  	s2 =	sld [smem:$0x3F9C];
	s0 =	simm.s32 @p1 $0x1  }
0x15: {  	[smem:$0x3FB9] =	sst s0;
	s0 =	simm.s32 @!p2 $0x0  }
0x16: {  	s3 =	sld [smem:$0x3FDB];
	s0 =	simm.s32 @p2 $0x1  }
0x17: {  	s4 =	simm.s32 $0x1BF5;
	[smem:$0x3FBB] =	sst s0  }
0x18: {  	s0 =	sld [smem:$0x3F9E];
	_ =	swait.ge [sflag:s4], $0x0  }
0x19: {  	s7 =	sld [smem:$0x3F9F]  }
0x1a: {  	s8 =	sadd.s32 $0xFFFFE003, lr  }
0x1b: {  	s9 =	sadd.s32 $0xFFFFFEF7, lr;
	s5 =	simm.s32 $0xFFFFFFFF;
	p2 =	slt.u32 s8, $0xFFFFF086  }
0x1c: {  	p1 =	slt.u32 s9, $0xF7A;
	s5 =	simm.s32 @!p2 $0x0  }
0x1d: {  	s5 =	simm.s32 @p1 $0x1;
	p0 =	seq.s32 s7, s2  }
0x1e: {  	s7 =	smul.u32 @!p0 $0xF7A, s2;
	p2 =	seq.s32 @!p0 s5, $0x0  }
0x1f: {  	s9 =	smul.u32 $0xF7A, s1;
	s8 =	simm.s32 @!p0 $0x1BF5;
	p2 =	por !p2, p0  }
0x20: {  	[sflag:s8] =	ssyncset.s32 @!p0 $0xFFFFF086;
	s6 =	sadd.s32 @!p0 s3, s7;
	s7 =	simm.s32 @!p0 $0x108  }
0x21: {  	s3 =	sadd.s32 s3, s9;
	s6 =	sadd.s32 @!p0 $0x88, s6;
	s7 =	simm.s32 @p2 $0x1082  }
0x22: {  	[simem:s7], [sflag:s8] =	dma.local @!p0 [hbm:s6], $0xF7A  }
0x23: {  	s9 =	sor.u32 $0xD0000000, s2;
	s6 =	simm.s32 $0x108;
	_ =	swait.ge @!p0 [sflag:s8], $0x0  }
0x24: {  	s3 =	sadd.s32 $0x88, s3;
	s6 =	simm.s32 @!p1 $0x1082;
	[sflag:s4] =	ssyncset.s32 $0xFFFFF086  }
0x25: {  	[simem:s6], [sflag:s4] =	dma.local [hbm:s3], $0xF7A  }
0x26: {  	[smem:$0x3F9F] =	sst s1;
	(tag) =	ssettag s2;
	_ =	strace s9  }
0x27: {  	s1 =	sld [smem:$0x3FAF]  }
0x28: {  	s2 =	sld [smem:$0x3FB0]  }
0x29: {  	s4 =	sld [smem:$0x3FB2]  }
0x2a: {  	p0 =	seq.s32 s5, $0x0;
	s5 =	sld [smem:$0x3FB3]  }
0x2b: {  	s6 =	sld [smem:$0x3FB4]  }
0x2c: {  	s7 =	sld [smem:$0x3FB5]  }
0x2d: {  	s3 =	simm.s32 $0x108;
	s8 =	sld [smem:$0x3FB6]  }
0x2e: {  	s3 =	simm.s32 @!p0 $0x1082;
	s9 =	sld [smem:$0x3FB7]  }
0x2f: {  	lr =	sadd.s32 s0, s3;
	s0 =	sld [smem:$0x3FAE]  }
0x30: {  	s3 =	sld [smem:$0x3FB1]  }
0x31: {  	[smem:$0x3FBA] =	sst s10  }
0x32: {  	s10 =	sld [smem:$0x3FB8];
	_ =	sdelay $0x3  }
0x33: {  	p0 =	seq.s32 s10, $0x1;
	s10 =	sld [smem:$0x3FBA];
	_ =	sdelay $0x3  }
0x34: {  	[smem:$0x3FBA] =	sst s10  }
0x35: {  	s10 =	sld [smem:$0x3FB9];
	_ =	sdelay $0x3  }
0x36: {  	p1 =	seq.s32 s10, $0x1;
	s10 =	sld [smem:$0x3FBA];
	_ =	sdelay $0x3  }
0x37: {  	[smem:$0x3FBA] =	sst s10  }
0x38: {  	s10 =	sld [smem:$0x3FBB]  }
0x39: {  	_ = 	snop;
	(pc) =	sbr.ind lr, $3  }
0x3a: {  	_ = 	snop  }
0x3b: {  	_ = 	snop  }
0x3c: {  	p2 =	seq.s32 s10, $0x1;
	s10 =	sld [smem:$0x3FBA]  }
0x3d: {  	_ =	shalt  }
0x3e: {  	_ =	shalt  }
0x3f: {  	_ =	shalt  }
0x40: {  	_ =	shalt  }
0x41: {  	_ =	shalt  }
0x42: {  	_ =	shalt  }
0x43: {  	_ =	shalt  }
0x44: {  	_ =	shalt  }
0x45: {  	_ =	shalt  }
0x46: {  	_ =	shalt  }
0x47: {  	_ =	shalt  }
0x48: {  	_ =	shalt  }
0x49: {  	_ =	shalt  }
0x4a: {  	_ =	shalt  }
0x4b: {  	_ =	shalt  }
0x4c: {  	_ =	shalt  }
0x4d: {  	_ =	shalt  }
0x4e: {  	_ =	shalt  }
0x4f: {  	_ =	shalt  }
0x50: {  	_ =	shalt  }
0x51: {  	_ =	shalt  }
0x52: {  	_ =	shalt  }
0x53: {  	_ =	shalt  }
0x54: {  	_ =	shalt  }
0x55: {  	_ =	shalt  }
0x56: {  	_ =	shalt  }
0x57: {  	_ =	shalt  }
0x58: {  	_ =	shalt  }
0x59: {  	_ =	shalt  }
0x5a: {  	_ =	shalt  }
0x5b: {  	_ =	shalt  }
0x5c: {  	_ =	shalt  }
0x5d: {  	_ =	shalt  }
0x5e: {  	_ =	shalt  }
0x5f: {  	_ =	shalt  }
0x60: {  	_ =	shalt  }
0x61: {  	_ =	shalt  }
0x62: {  	_ =	shalt  }
0x63: {  	_ =	shalt  }
0x64: {  	_ =	shalt  }
0x65: {  	_ =	shalt  }
0x66: {  	_ =	shalt  }
0x67: {  	_ =	shalt  }
0x68: {  	_ =	shalt  }
0x69: {  	_ =	shalt  }
0x6a: {  	_ =	shalt  }
0x6b: {  	_ =	shalt  }
0x6c: {  	_ =	shalt  }
0x6d: {  	_ =	shalt  }
0x6e: {  	_ =	shalt  }
0x6f: {  	_ =	shalt  }
0x70: {  	_ =	shalt  }
0x71: {  	_ =	shalt  }
0x72: {  	_ =	shalt  }
0x73: {  	_ =	shalt  }
0x74: {  	_ =	shalt  }
0x75: {  	_ =	shalt  }
0x76: {  	_ =	shalt  }
0x77: {  	_ =	shalt  }
0x78: {  	_ =	shalt  }
0x79: {  	_ =	shalt  }
0x7a: {  	_ =	shalt  }
0x7b: {  	_ =	shalt  }
0x7c: {  	_ =	shalt  }
0x7d: {  	_ =	shalt  }
0x7e: {  	_ =	shalt  }
0x7f: {  	_ =	shalt  }
0x80: {  	_ =	shalt  }
0x81: {  	_ =	shalt  }
0x82: {  	_ =	shalt  }
0x83: {  	_ =	shalt  }
0x84: {  	_ =	shalt  }
0x85: {  	_ =	shalt  }
0x86: {  	_ =	shalt  }
0x87: {  	_ =	shalt  }
.Lfunc_end0:
.L_simem_size_0:
called_computation_lowered:
.L_overlay_start_0:
0x88: {  	s2 =	sld [smem:$0x3FD9]  }
0x89: {  	s3 =	sld [smem:$0x3FFE];
	_ =	sdelay $0x1  }
0x8a: {  	s1 =	srdreg.scid  }
0x8b: {  	s0 =	sand.u32 $0x1, s1  }
0x8c: {  	s17 =	sshll.u32 s0, $0xA;
	s2 =	sadd.s32 s3, s2  }
0x8d: {  	s2 =	sadd.s32 s2, s17  }
0x8e: {  	[smem:$0x3FC6] =	sst s2  }
0x8f: {  	_ = 	snop  }
0x90: {  	s2 =	sld [smem:$0x3FC9];
	(tm) =	ssettm $0x1  }
0x91: {  	s18 =	sld [smem:$0x3FFB];
	_ =	sdelay $0x3  }
0x92: {  	_ =	strace s18  }
0x93: {  	s3 =	sld [smem:$0x3FFC];
	_ =	sdelay $0x3  }
0x94: {  	_ =	strace s3  }
0x95: {  	s3 =	sld [smem:$0x3FFD];
	_ =	sdelay $0x3  }
0x96: {  	_ =	strace s3  }
0x97: {  	_ =	strace $0x8FFFFFFF  }
0x98: {  	s19 =	sld [smem:$0x3FDB];
	_ =	sdelay $0x1  }
0x99: {  	s4 =	simm.s32 $_scs_section_size  }
0x9a: {  	s5 =	simm.s32 $_size__tile_overlayer_lowered;
	s6 =	simm.s32 $_tile_overlayer_lowered  }
0x9b: {  	s22 =	simm.s32 $0x1BFF;
	s21 =	sshll.u32 s6, $0x1;
	s3 =	sadd.s32 s4, s19  }
0x9c: {  	s7 =	simm.s32 $0x0;
	s20 =	sshll.u32 s5, $0x1;
	s5 =	sadd.s32 s21, s3  }
0x9d: {  	[timem:s7], [sflag:s22] =	dma.local [hbm:s5], s20  }
0x9e: {  	_ =	swait.ge [sflag:s22], s20  }
0x9f: {  	s4 =	ssub.s32 $0x0, s20;
	[sflag:s22] =	ssyncset.done $0x0  }
0xa0: {  	[sflag:s22] =	ssyncadd.s32 s4;
	_ =	sdelay $0x1  }
0xa1: {  	s23 =	simm.s32 $0x1B8B  }
0xa2: {  	_ =	swait.ge [sflag:s23], $0x1  }
0xa3: {  	[sflag:s23] =	ssyncset.done $0x0  }
0xa4: {  	s25 =	simm.s32 $0x1B8E;
	s24 =	sld [smem:$0x3FFE];
	[sflag:s23] =	ssyncadd.s32 $0xFFFFFFFF  }
0xa5: {  	s26 =	simm.s32 $execute0_lowered;
	[smem:$0x3FD2] =	sst s25  }
0xa6: {  	s5 =	sshll.u32 s26, $0x1;
	_ =	strace $0x80000046;
	[dreg:$0x1] =	wrdreg $0xFFFFFFFF  }
0xa7: {  	s28 =	simm.s32 $_size_execute0_lowered;
	s3 =	sadd.s32 s3, s5;
	[dreg:$0x0] =	wrdreg $0x0  }
0xa8: {  	s5 =	sshll.u32 s28, $0x1;
	[dreg:$0x2] =	wrdreg s3  }
0xa9: {  	[dreg:$0x3] =	wrdreg s5  }
0xaa: {  	[dreg:$0x4] =	wrdreg $0xC0  }
0xab: {  	_ =	task [dreg:s7], $0x5FFFF  }
0xac: {  	[dreg:$0x1] =	wrdreg $0xFFFFFFFF  }
0xad: {  	[dreg:$0x0] =	wrdreg $0x60  }
0xae: {  	[dreg:$0x2] =	wrdreg s2  }
0xaf: {  	[dreg:$0x3] =	wrdreg s24  }
0xb0: {  	[dreg:$0x4] =	wrdreg $0x9  }
0xb1: {  	_ =	task.clear_ibuf [dreg:s7], $0x5FFFF;
	_ =	strace $0x90000046  }
0xb2: {  	s29 =	simm.s32 $0x9;
	_ =	strace $0x80000048  }
0xb3: {  	_ =	swait.ge [sflag:s29], $0x1  }
0xb4: {  	[sflag:s29] =	ssyncadd.s32 $0xFFFFFFFF  }
0xb5: {  	_ =	strace $0x90000048  }
0xb6: {  	_ =	sfence  }
0xb7: {  	s30 =	sld [smem:$0x0];
	_ =	sdelay $0x2  }
0xb8: {  	s31 =	sshll.u32 s1, $0xD;
	s1 =	sshrl.u32 s1, $0x2  }
0xb9: {  	s3 =	sand.u32 $0x4000, s31;
	s1 =	sadd.s32 s1, s30  }
0xba: {  	s0 =	sor.u32 s3, s0;
	s1 =	sshll.u32 s1, $0x11  }
0xbb: {  	s0 =	sor.u32 s1, s0  }
0xbc: {  	s0 =	sadd.s32 $0x8F2B, s0  }
0xbd: {  	[sflag:s0] =	ssyncadd.remote.s32 $0x1  }
0xbe: {  	_ =	sfence.sel $0xFFFF  }
0xbf: {  	[dreg:$0x0] =	wrdreg $0xFFFFFFFF;
	(pc) =	sbr.abs _section_cstart, $3  }
0xc0: {  	[dreg:$0x1] =	wrdreg $0xFFFFFFFF  }
0xc1: {  	_ =	task.clear_ibuf [dreg:s7], $0x2FFFF;
	_ =	strace $0x9FFFFFFF  }
0xc2: {  	(tm) =	ssettm $0x7FFFFFFF  }
0xc3: {  	_ =	shalt  }
tec
execute0_lowered:
.L_overlay_start_1:
0x0: {  	(tag) =	ssettag $0x1  }
0x1: {  	s6 =	rddreg [dreg:$0x0]  }
0x2: {  	s4 =	rddreg [dreg:$0x1]  }
0x3: {  	s0 =	rddreg [dreg:$0x2]  }
0x4: {  	s3 =	srdreg.scid;
	s1 =	stileid.u32  }
0x5: {  	s2 =	simm.s32 $0x0;
	s10 =	simm.s32 $0x6400;
	s11 =	simm.s32 $0xA400  }
0x6: {  	s12 =	simm.s32 $0x1;
	s13 =	simm.s32 $0xE400;
	s14 =	simm.s32 $0x2  }
0x7: {  	s15 =	simm.s32 $0x12600;
	s16 =	simm.s32 $0x3;
	s17 =	simm.s32 $0x4  }
0x8: {  	s18 =	simm.s32 $0x0;
	s3 =	sand.u32 $0x1, s3;
	s5 =	sshll.u32 s1, $0x1  }
.Ltmp0:
0x9: {  	[smem:$0x7FF] =	sst s2;
	s5 =	sor.u32 s3, s5;
	(pc) =	sbr.rel .LBB2_1-.Ltmp0, $4  }
0xa: {  	v0 =	vlaneseq.u32;
	_ =	strace $0x80000047;
	s7 =	ssub.s32 $0x2, s3;
	s3 =	sadd.s32 $0x1E84C00, s4  }
0xb: {  	v0 =	vmul.u32 $0x108, v0;
	s4 =	sadd.s32 $0x400, s4;
	s8 =	smul.u32 $0xC80, s5;
	s9 =	sshrl.u32 s7, $0x1  }
0xc: {  	s5 =	smul.u32 $0x64, s5;
	s7 =	ssub.s32 s7, s9;
	s9 =	simm.s32 $0x100  }
0xd: {  	v1 =	vadd.s32 $0x1080, v0;
	v2 =	vadd.s32 $0x2100, v0;
	v3 =	vadd.s32 $0x3180, v0;
	s6 =	sadd.s32 s6, s8;
	s7 =	smax.u32 s7, $0x1;
	s8 =	simm.s32 $0x5  }
.LBB2_14:
0xe: {  	s18 =	sadd.s32 $0x1, s18  }
0xf: {  	_ =	swait.ge [sflag:s16], $0x4000;
	p0 =	sne.s32 s18, s7  }
.Ltmp1:
0x10: {  	[sflag:s16] =	ssyncset.done $0x0;
	(pc) =	sbr.rel @!p0 .LBB2_15-.Ltmp1, $4  }
0x11: {  	[sflag:s16] =	ssyncadd.s32 $0xFFFFC000  }
0x12: {  	_ =	swait.ge [sflag:s17], $0x4000  }
0x13: {  	[sflag:s17] =	ssyncset.done $0x0  }
0x14: {  	[sflag:s17] =	ssyncadd.s32 $0xFFFFC000  }
.LBB2_1:
0x15: {  	[tilespmem:s2], [sflag:$0x5] =	stream.linear.gather [hbm4b:s6+s2], $0x6400, $0x38;
	[tilespmem:$0x16800] =	vst v63  }
0x16: {  	_ =	swait.ge [sflag:s8], $0x6400  }
0x17: {  	[sflag:s8] =	ssyncset.done $0x0  }
0x18: {  	s19 =	simm.s32 $0x40;
	[sflag:s8] =	ssyncadd.s32 $0xFFFF9C00  }
0x19: {  	v7 =	vld [tilespmem:s19+$0x30]  }
0x1a: {  	v8 =	vld [tilespmem:s19+$0xFFFFFFD0]  }
0x1b: {  	v9 =	vld [tilespmem:s19+$0xFFFFFFE0]  }
0x1c: {  	v6 =	vld [tilespmem:s19+$0xFFFFFFF0]  }
0x1d: {  	v5 =	vld [tilespmem:s19+$0x0]  }
0x1e: {  	v4 =	vld [tilespmem:s19+$0x10];
	v10 =	vshll.u32 v7, $0x1  }
0x1f: {  	v11 =	vshll.u32 v8, $0x1;
	v7 =	vld [tilespmem:s19+$0x20];
	[tilespmem:s19+$0x30] =	vst v10  }
0x20: {  	s20 =	simm.s32 $0x0;
	s21 =	simm.s32 $0xC0;
	v8 =	vld [tilespmem:s19+$0xFFFFFFC0];
	v9 =	vshll.u32 v9, $0x1;
	[tilespmem:s19+$0xFFFFFFD0] =	vst v11  }
.LBB2_2:
0x21: {  	v10 =	vld [tilespmem:s21+$0x30];
	s20 =	sadd.s32 $0x8, s20;
	[tilespmem:s19+$0xFFFFFFE0] =	vst v9;
	v6 =	vshll.u32 v6, $0x1  }
0x22: {  	v9 =	vld [tilespmem:s21+$0xFFFFFFD0];
	p0 =	slt.u32 s20, $0x638;
	[tilespmem:s19+$0xFFFFFFF0] =	vst v6;
	v5 =	vshll.u32 v5, $0x1  }
0x23: {  	v11 =	vld [tilespmem:s21+$0xFFFFFFE0];
	[tilespmem:s19+$0x0] =	vst v5;
	v4 =	vshll.u32 v4, $0x1  }
.Ltmp2:
0x24: {  	v6 =	vld [tilespmem:s21+$0xFFFFFFF0];
	[tilespmem:s19+$0x10] =	vst v4;
	v4 =	vshll.u32 v7, $0x1;
	(pc) =	sbr.rel @p0 .LBB2_2-.Ltmp2, $4  }
0x25: {  	v5 =	vld [tilespmem:s21+$0x0];
	v7 =	vshll.u32 v8, $0x1;
	[tilespmem:s19+$0x20] =	vst v4  }
0x26: {  	v4 =	vld [tilespmem:s21+$0x10];
	v8 =	vshll.u32 v10, $0x1;
	[tilespmem:s19+$0xFFFFFFC0] =	vst v7;
	s19 =	smov.u32 s21  }
0x27: {  	v9 =	vshll.u32 v9, $0x1;
	v7 =	vld [tilespmem:s21+$0x20];
	[tilespmem:s21+$0x30] =	vst v8  }
0x28: {  	s21 =	sadd.s32 $0x80, s21;
	v8 =	vld [tilespmem:s19+$0xFFFFFFC0];
	[tilespmem:s19+$0xFFFFFFD0] =	vst v9;
	v9 =	vshll.u32 v11, $0x1  }
0x29: {  	[tilespmem:s19+$0xFFFFFFE0] =	vst v9;
	v6 =	vshll.u32 v6, $0x1  }
0x2a: {  	[tilespmem:s19+$0xFFFFFFF0] =	vst v6;
	v5 =	vshll.u32 v5, $0x1  }
0x2b: {  	[tilespmem:s19+$0x0] =	vst v5;
	v4 =	vshll.u32 v4, $0x1  }
0x2c: {  	[tilespmem:s19+$0x10] =	vst v4;
	v4 =	vshll.u32 v7, $0x1  }
0x2d: {  	v5 =	vshll.u32 v8, $0x1;
	[tilespmem:s19+$0x20] =	vst v4  }
0x2e: {  	[tilespmem:s19+$0xFFFFFFC0] =	vst v5;
	s19 =	simm.s32 $0x0  }
0x2f: {  	[tilespmem:s10], [sflag:$0x1] =	stream.indirect.gather [hbm4b:s3+s9], $0x40, s19, s9, $0xb8;
	[tilespmem:$0x16800] =	vst v63  }
0x30: {  	s20 =	simm.s32 $0x0  }
0x31: {  	[tilespmem:s11], [sflag:$0x2] =	stream.indirect.gather [hbm4b:s3+s9], $0x40, s9, s9, $0xb8;
	[tilespmem:$0x16800] =	vst v63  }
.LBB2_4:
0x32: {  	_ =	swait.ge [sflag:s12], $0x4000  }
0x33: {  	p0 =	seq.s32 s20, $0x0;
	[sflag:s12] =	ssyncset.done $0x0  }
0x34: {  	s21 =	simm.s32 @!p0 $0x3;
	[sflag:s12] =	ssyncadd.s32 $0xFFFFC000  }
0x35: {  	_ =	swait.ge @!p0 [sflag:s21], $0x4000  }
0x36: {  	[sflag:s21] =	ssyncset.done @!p0 $0x0  }
0x37: {  	s30 =	simm.s32 $0x6440;
	[sflag:s21] =	ssyncadd.s32 @!p0 $0xFFFFC000  }
0x38: {  	s22 =	simm.s32 $0x1;
	v4 =	vld [tilespmem:s30+$0x30]  }
0x39: {  	v5 =	vmov s22;
	v6 =	vld [tilespmem:s30+$0xFFFFFFD0]  }
0x3a: {  	v7 =	vmov s19;
	v5 =	vand.u32 $0xFF, v5;
	v8 =	vld [tilespmem:s30+$0xFFFFFFE0]  }
0x3b: {  	v7 =	vand.u32 $0xFE, v7;
	v9 =	vadd.s32 v3, v5;
	v12 =	vld [tilespmem:s30+$0x0]  }
0x3c: {  	v11 =	vadd.s32 v1, v7;
	v14 =	vld [tilespmem:s30+$0x10]  }
0x3d: {  	v13 =	vadd.s32 v2, v7;
	v19 =	vld [tilespmem:s30+$0xFFFFFFC0]  }
0x3e: {  	s22 =	simm.s32 $0x64C0;
	v21 =	vadd.s32 v0, v7;
	v17 =	vadd.s32 v1, v5;
	v10 =	vld [tilespmem:s30+$0xFFFFFFF0];
	v4 =	vmul.f32 $8.000000000e+00, v4  }
0x3f: {  	s23 =	simm.s32 $0x2;
	v15 =	vadd.s32 v0, v5;
	v18 =	vadd.s32 v2, v5;
	v20 =	vld [tilespmem:s22+$0x30];
	v6 =	vmul.f32 $8.000000000e+00, v6  }
0x40: {  	s31 =	simm.s32 $0x3;
	v5 =	vadd.s32 v3, v7;
	v7 =	vmov s23;
	v16 =	vld [tilespmem:s30+$0x20];
	v8 =	vmul.f32 $8.000000000e+00, v8;
	[tilespmem:v9+s13+$0x0] =	vst.idx.msk $0xffff, v4  }
0x41: {  	v22 =	vand.u32 $0xFE, v7;
	v7 =	vmov s31;
	v24 =	vmul.f32 $8.000000000e+00, v14;
	[tilespmem:v11+s13+$0x0] =	vst.idx.msk $0xffff, v6  }
0x42: {  	v23 =	vld [tilespmem:s22+$0xFFFFFFD0];
	v25 =	vmul.f32 $8.000000000e+00, v19;
	v6 =	vmul.f32 $8.000000000e+00, v12;
	v12 =	vand.u32 $0xFF, v7;
	[tilespmem:v13+s13+$0x0] =	vst.idx.msk $0xffff, v8  }
0x43: {  	v11 =	vld [tilespmem:s22+$0xFFFFFFE0];
	[tilespmem:v17+s13+$0x0] =	vst.idx.msk $0xffff, v24;
	v14 =	vadd.s32 v3, v12  }
0x44: {  	v10 =	vmul.f32 $8.000000000e+00, v10;
	v20 =	vmul.f32 $8.000000000e+00, v20;
	v8 =	vld [tilespmem:s22+$0xFFFFFFF0];
	[tilespmem:v21+s13+$0x0] =	vst.idx.msk $0xffff, v25  }
0x45: {  	v13 =	vld [tilespmem:s22+$0x0];
	v17 =	vadd.s32 v1, v22;
	v9 =	vadd.s32 v0, v12;
	[tilespmem:v15+s13+$0x0] =	vst.idx.msk $0xffff, v6;
	v15 =	vmul.f32 $8.000000000e+00, v16  }
0x46: {  	v7 =	vadd.s32 v1, v12;
	v6 =	vadd.s32 v2, v12;
	v12 =	vadd.s32 v2, v22;
	v16 =	vld [tilespmem:s22+$0x10]  }
0x47: {  	s24 =	simm.s32 $0x4;
	s23 =	simm.s32 $0x8;
	s21 =	sshll.u32 s20, $0x1;
	v19 =	vmul.f32 $8.000000000e+00, v23;
	v4 =	vadd.s32 v0, v22;
	[tilespmem:v18+s13+$0x0] =	vst.idx.msk $0xffff, v15;
	v15 =	vadd.s32 v3, v22;
	v18 =	vld [tilespmem:s22+$0x20]  }
.LBB2_5:
0x48: {  	v21 =	vmov s24;
	s25 =	sadd.s32 $0x1, s24;
	s23 =	sadd.s32 $0x8, s23;
	v22 =	vld [tilespmem:s22+$0xFFFFFFC0];
	v23 =	vmul.f32 $8.000000000e+00, v11;
	[tilespmem:v14+s13+$0x0] =	vst.idx.msk $0xffff, v20;
	s22 =	sadd.s32 $0x80, s22  }
0x49: {  	v20 =	vand.u32 $0xFE, v21;
	v11 =	vmov s25;
	v21 =	vld [tilespmem:s22+$0x30];
	p1 =	slt.u32 s23, $0x3F8;
	[tilespmem:v5+s13+$0x0] =	vst.idx.msk $0xffff, v10;
	v10 =	vmul.f32 $8.000000000e+00, v8;
	v5 =	vmovc v15  }
0x4a: {  	v24 =	vadd.s32 v0, v20;
	v25 =	vld [tilespmem:s22+$0xFFFFFFD0];
	v15 =	vand.u32 $0xFF, v11;
	[tilespmem:v17+s13+$0x0] =	vst.idx.msk $0xffff, v19;
	v13 =	vmul.f32 $8.000000000e+00, v13  }
.Ltmp3:
0x4b: {  	v11 =	vld [tilespmem:s22+$0xFFFFFFE0];
	v19 =	vadd.s32 v0, v15;
	v14 =	vadd.s32 v3, v15;
	[tilespmem:v12+s13+$0x0] =	vst.idx.msk $0xffff, v23;
	v16 =	vmul.f32 $8.000000000e+00, v16;
	(pc) =	sbr.rel @p1 .LBB2_5-.Ltmp3, $4  }
0x4c: {  	v23 =	vadd.s32 v1, v15;
	v26 =	vadd.s32 v2, v15;
	v8 =	vld [tilespmem:s22+$0xFFFFFFF0];
	[tilespmem:v9+s13+$0x0] =	vst.idx.msk $0xffff, v13;
	v18 =	vmul.f32 $8.000000000e+00, v18  }
0x4d: {  	v17 =	vadd.s32 v1, v20;
	v12 =	vadd.s32 v2, v20;
	v13 =	vld [tilespmem:s22+$0x0];
	v22 =	vmul.f32 $8.000000000e+00, v22;
	[tilespmem:v7+s13+$0x0] =	vst.idx.msk $0xffff, v16  }
0x4e: {  	v15 =	vadd.s32 v3, v20;
	v9 =	vmovc v19;
	v7 =	vmov v23;
	v16 =	vld [tilespmem:s22+$0x10];
	v20 =	vmul.f32 $8.000000000e+00, v21;
	[tilespmem:v6+s13+$0x0] =	vst.idx.msk $0xffff, v18  }
0x4f: {  	s24 =	sadd.s32 $0x2, s24;
	v6 =	vmov v26;
	v19 =	vmul.f32 $8.000000000e+00, v25;
	v18 =	vld [tilespmem:s22+$0x20];
	[tilespmem:v4+s13+$0x0] =	vst.idx.msk $0xffff, v22;
	v4 =	vmov v24  }
0x50: {  	_ =	sdelay $0x3  }
0x51: {  	[tilespmem:v14+s13+$0x0] =	vst.idx.msk $0xffff, v20  }
0x52: {  	v21 =	vld [tilespmem:s22+$0xFFFFFFC0];
	v11 =	vmul.f32 $8.000000000e+00, v11;
	[tilespmem:v5+s13+$0x0] =	vst.idx.msk $0xffff, v10  }
0x53: {  	[tilespmem:v17+s13+$0x0] =	vst.idx.msk $0xffff, v19;
	v63 =	vmul.f32 $8.000000000e+00, v8  }
0x54: {  	s31 =	sadd.s32 s5, s21;
	v5 =	vmul.f32 $8.000000000e+00, v13;
	[tilespmem:v12+s13+$0x0] =	vst.idx.msk $0xffff, v11  }
0x55: {  	s23 =	sshll.u32 s31, $0x5;
	v61 =	vmul.f32 $8.000000000e+00, v16;
	[tilespmem:v15+s13+$0x0] =	vst.idx.msk $0xffff, v63  }
0x56: {  	s22 =	sshll.u32 s31, $0xB;
	s23 =	sand.u32 $0x1C0, s23;
	[tilespmem:v9+s13+$0x0] =	vst.idx.msk $0xffff, v5;
	v5 =	vmul.f32 $8.000000000e+00, v18  }
0x57: {  	s22 =	sand.u32 $0xFFF8000, s22;
	s23 =	sadd.s32 s4, s23;
	v62 =	vmul.f32 $8.000000000e+00, v21;
	[tilespmem:v7+s13+$0x0] =	vst.idx.msk $0xffff, v61  }
0x58: {  	s24 =	simm.s32 $0x200;
	s22 =	sadd.s32 s22, s23;
	[tilespmem:v6+s13+$0x0] =	vst.idx.msk $0xffff, v5  }
0x59: {  	s25 =	simm.s32 $0xE508;
	s23 =	simm.s32 $0xE400;
	s26 =	sadd.s32 $0x0, s22;
	[tilespmem:v4+s13+$0x0] =	vst.idx.msk $0xffff, v62  }
.LBB2_7:
0x5a: {  	[hbm4b:s26+s2] =	stream.linear.scatter [tilespmem:s23], [sflag:$0x3], $0x100, $0x38;
	[tilespmem:$0x16800] =	vst v63  }
0x5b: {  	s26 =	smov.u32 s24;
	s23 =	smov.u32 s25;
	p1 =	sne.s32 s24, $0x7E00  }
.Ltmp4:
0x5c: {  	s24 =	sadd.s32 $0x200, s24;
	(pc) =	sbr.rel @p1 .LBB2_7-.Ltmp4, $2  }
0x5d: {  	_ =	sdelay $0x2  }
0x5e: {  	s25 =	sadd.s32 $0x108, s25;
	s26 =	sadd.s32 s26, s22  }
0x5f: {  	[hbm4b:s26+s2] =	stream.linear.scatter [tilespmem:s23], [sflag:$0x3], $0x100, $0x38;
	[tilespmem:$0x16800] =	vst v63  }
0x60: {  	p1 =	seq.s32 s20, $0x31  }
0x61: {  	s22 =	sshll.u32 @!p1 s20, $0x9  }
0x62: {  	s22 =	sand.u32 @!p1 $0x3FFFFE00, s22  }
0x63: {  	s23 =	simm.s32 @!p1 $0x100;
	s24 =	simm.s32 @!p1 $0x6400;
	s22 =	sadd.s32 @!p1 $0x200, s22  }
0x64: {  	[tilespmem:s24], [sflag:$0x1] =	stream.indirect.gather @!p1 [hbm4b:s3+s23], $0x40, s22, s23, $0xb8;
	[tilespmem:$0x16800] =	vst v63  }
0x65: {  	_ =	swait.ge [sflag:s14], $0x4000  }
0x66: {  	[sflag:s14] =	ssyncset.done $0x0  }
0x67: {  	s22 =	simm.s32 @!p0 $0x4;
	[sflag:s14] =	ssyncadd.s32 $0xFFFFC000  }
0x68: {  	_ =	swait.ge @!p0 [sflag:s22], $0x4000  }
0x69: {  	[sflag:s22] =	ssyncset.done @!p0 $0x0  }
0x6a: {  	s26 =	simm.s32 $0xA440;
	[sflag:s22] =	ssyncadd.s32 @!p0 $0xFFFFC000  }
0x6b: {  	s28 =	simm.s32 $0x1;
	v4 =	vld [tilespmem:s26+$0x30]  }
0x6c: {  	s29 =	simm.s32 $0x0;
	v5 =	vmov s28;
	v6 =	vld [tilespmem:s26+$0xFFFFFFD0]  }
0x6d: {  	v7 =	vmov s29;
	v5 =	vand.u32 $0xFF, v5;
	v8 =	vld [tilespmem:s26+$0xFFFFFFE0]  }
0x6e: {  	v7 =	vand.u32 $0xFE, v7;
	v9 =	vadd.s32 v3, v5;
	v12 =	vld [tilespmem:s26+$0x0]  }
0x6f: {  	v11 =	vadd.s32 v1, v7;
	v14 =	vld [tilespmem:s26+$0x10]  }
0x70: {  	v13 =	vadd.s32 v2, v7;
	v19 =	vld [tilespmem:s26+$0xFFFFFFC0]  }
0x71: {  	v21 =	vadd.s32 v0, v7;
	v17 =	vadd.s32 v1, v5;
	s22 =	simm.s32 $0xA4C0;
	v10 =	vld [tilespmem:s26+$0xFFFFFFF0];
	v4 =	vmul.f32 $8.000000000e+00, v4  }
0x72: {  	s30 =	simm.s32 $0x2;
	v15 =	vadd.s32 v0, v5;
	v18 =	vadd.s32 v2, v5;
	v20 =	vld [tilespmem:s22+$0x30];
	v6 =	vmul.f32 $8.000000000e+00, v6  }
0x73: {  	s31 =	simm.s32 $0x3;
	v5 =	vadd.s32 v3, v7;
	v7 =	vmov s30;
	v16 =	vld [tilespmem:s26+$0x20];
	v8 =	vmul.f32 $8.000000000e+00, v8;
	[tilespmem:v9+s15+$0x0] =	vst.idx.msk $0xffff, v4  }
0x74: {  	v22 =	vand.u32 $0xFE, v7;
	v7 =	vmov s31;
	v24 =	vmul.f32 $8.000000000e+00, v14;
	[tilespmem:v11+s15+$0x0] =	vst.idx.msk $0xffff, v6  }
0x75: {  	v23 =	vld [tilespmem:s22+$0xFFFFFFD0];
	v25 =	vmul.f32 $8.000000000e+00, v19;
	v6 =	vmul.f32 $8.000000000e+00, v12;
	v12 =	vand.u32 $0xFF, v7;
	[tilespmem:v13+s15+$0x0] =	vst.idx.msk $0xffff, v8  }
0x76: {  	v11 =	vld [tilespmem:s22+$0xFFFFFFE0];
	[tilespmem:v17+s15+$0x0] =	vst.idx.msk $0xffff, v24;
	v14 =	vadd.s32 v3, v12  }
0x77: {  	v10 =	vmul.f32 $8.000000000e+00, v10;
	v20 =	vmul.f32 $8.000000000e+00, v20;
	v8 =	vld [tilespmem:s22+$0xFFFFFFF0];
	[tilespmem:v21+s15+$0x0] =	vst.idx.msk $0xffff, v25  }
0x78: {  	v13 =	vld [tilespmem:s22+$0x0];
	v17 =	vadd.s32 v1, v22;
	v9 =	vadd.s32 v0, v12;
	[tilespmem:v15+s15+$0x0] =	vst.idx.msk $0xffff, v6;
	v15 =	vmul.f32 $8.000000000e+00, v16  }
0x79: {  	v7 =	vadd.s32 v1, v12;
	v6 =	vadd.s32 v2, v12;
	v12 =	vadd.s32 v2, v22;
	v16 =	vld [tilespmem:s22+$0x10]  }
0x7a: {  	s21 =	sor.u32 $0x1, s21;
	s23 =	simm.s32 $0x8;
	s24 =	simm.s32 $0x4;
	v19 =	vmul.f32 $8.000000000e+00, v23;
	v4 =	vadd.s32 v0, v22;
	[tilespmem:v18+s15+$0x0] =	vst.idx.msk $0xffff, v15;
	v15 =	vadd.s32 v3, v22;
	v18 =	vld [tilespmem:s22+$0x20]  }
.LBB2_9:
0x7b: {  	v21 =	vmov s24;
	s25 =	sadd.s32 $0x1, s24;
	s23 =	sadd.s32 $0x8, s23;
	v22 =	vld [tilespmem:s22+$0xFFFFFFC0];
	v23 =	vmul.f32 $8.000000000e+00, v11;
	[tilespmem:v14+s15+$0x0] =	vst.idx.msk $0xffff, v20;
	s22 =	sadd.s32 $0x80, s22  }
0x7c: {  	v20 =	vand.u32 $0xFE, v21;
	v11 =	vmov s25;
	v21 =	vld [tilespmem:s22+$0x30];
	p0 =	slt.u32 s23, $0x3F8;
	[tilespmem:v5+s15+$0x0] =	vst.idx.msk $0xffff, v10;
	v10 =	vmul.f32 $8.000000000e+00, v8;
	v5 =	vmovc v15  }
0x7d: {  	v24 =	vadd.s32 v0, v20;
	v25 =	vld [tilespmem:s22+$0xFFFFFFD0];
	v15 =	vand.u32 $0xFF, v11;
	[tilespmem:v17+s15+$0x0] =	vst.idx.msk $0xffff, v19;
	v13 =	vmul.f32 $8.000000000e+00, v13  }
.Ltmp5:
0x7e: {  	v11 =	vld [tilespmem:s22+$0xFFFFFFE0];
	v19 =	vadd.s32 v0, v15;
	v14 =	vadd.s32 v3, v15;
	[tilespmem:v12+s15+$0x0] =	vst.idx.msk $0xffff, v23;
	v16 =	vmul.f32 $8.000000000e+00, v16;
	(pc) =	sbr.rel @p0 .LBB2_9-.Ltmp5, $4  }
0x7f: {  	v23 =	vadd.s32 v1, v15;
	v26 =	vadd.s32 v2, v15;
	v8 =	vld [tilespmem:s22+$0xFFFFFFF0];
	[tilespmem:v9+s15+$0x0] =	vst.idx.msk $0xffff, v13;
	v18 =	vmul.f32 $8.000000000e+00, v18  }
0x80: {  	v17 =	vadd.s32 v1, v20;
	v12 =	vadd.s32 v2, v20;
	v13 =	vld [tilespmem:s22+$0x0];
	v22 =	vmul.f32 $8.000000000e+00, v22;
	[tilespmem:v7+s15+$0x0] =	vst.idx.msk $0xffff, v16  }
0x81: {  	v15 =	vadd.s32 v3, v20;
	v9 =	vmovc v19;
	v7 =	vmov v23;
	v16 =	vld [tilespmem:s22+$0x10];
	v20 =	vmul.f32 $8.000000000e+00, v21;
	[tilespmem:v6+s15+$0x0] =	vst.idx.msk $0xffff, v18  }
0x82: {  	s24 =	sadd.s32 $0x2, s24;
	v6 =	vmov v26;
	v19 =	vmul.f32 $8.000000000e+00, v25;
	v18 =	vld [tilespmem:s22+$0x20];
	[tilespmem:v4+s15+$0x0] =	vst.idx.msk $0xffff, v22;
	v4 =	vmov v24  }
0x83: {  	_ =	sdelay $0x3  }
0x84: {  	[tilespmem:v14+s15+$0x0] =	vst.idx.msk $0xffff, v20  }
0x85: {  	v21 =	vld [tilespmem:s22+$0xFFFFFFC0];
	v11 =	vmul.f32 $8.000000000e+00, v11;
	[tilespmem:v5+s15+$0x0] =	vst.idx.msk $0xffff, v10  }
0x86: {  	[tilespmem:v17+s15+$0x0] =	vst.idx.msk $0xffff, v19;
	v63 =	vmul.f32 $8.000000000e+00, v8  }
0x87: {  	s21 =	sadd.s32 s5, s21;
	v5 =	vmul.f32 $8.000000000e+00, v13;
	[tilespmem:v12+s15+$0x0] =	vst.idx.msk $0xffff, v11  }
0x88: {  	s31 =	sshll.u32 s21, $0x5;
	v61 =	vmul.f32 $8.000000000e+00, v16;
	[tilespmem:v15+s15+$0x0] =	vst.idx.msk $0xffff, v63  }
0x89: {  	s21 =	sshll.u32 s21, $0xB;
	s22 =	sand.u32 $0x1E0, s31;
	[tilespmem:v9+s15+$0x0] =	vst.idx.msk $0xffff, v5;
	v5 =	vmul.f32 $8.000000000e+00, v18  }
0x8a: {  	s21 =	sand.u32 $0xFFF8000, s21;
	s22 =	sadd.s32 s4, s22;
	v62 =	vmul.f32 $8.000000000e+00, v21;
	[tilespmem:v7+s15+$0x0] =	vst.idx.msk $0xffff, v61  }
0x8b: {  	s23 =	simm.s32 $0x200;
	s21 =	sadd.s32 s21, s22;
	[tilespmem:v6+s15+$0x0] =	vst.idx.msk $0xffff, v5  }
0x8c: {  	s24 =	simm.s32 $0x12708;
	s22 =	simm.s32 $0x12600;
	s25 =	sadd.s32 $0x0, s21;
	[tilespmem:v4+s15+$0x0] =	vst.idx.msk $0xffff, v62  }
.LBB2_11:
0x8d: {  	[hbm4b:s25+s2] =	stream.linear.scatter [tilespmem:s22], [sflag:$0x4], $0x100, $0x38;
	[tilespmem:$0x16800] =	vst v63  }
0x8e: {  	s25 =	smov.u32 s23;
	s22 =	smov.u32 s24;
	p0 =	sne.s32 s23, $0x7E00  }
.Ltmp6:
0x8f: {  	s23 =	sadd.s32 $0x200, s23;
	(pc) =	sbr.rel @p0 .LBB2_11-.Ltmp6, $2  }
0x90: {  	_ =	sdelay $0x2  }
0x91: {  	s24 =	sadd.s32 $0x108, s24;
	s25 =	sadd.s32 s25, s21  }
.Ltmp7:
0x92: {  	(pc) =	sbr.rel @p1 .LBB2_14-.Ltmp7, $2  }
0x93: {  	_ =	sdelay $0x2  }
0x94: {  	[hbm4b:s25+s2] =	stream.linear.scatter [tilespmem:s22], [sflag:$0x4], $0x100, $0x38;
	[tilespmem:$0x16800] =	vst v63  }
.Ltmp8:
0x95: {  	(pc) =	sbr.rel .LBB2_4-.Ltmp8, $4  }
0x96: {  	s21 =	sshll.u32 s20, $0x9  }
0x97: {  	s21 =	sand.u32 $0x3FFFFE00, s21  }
0x98: {  	s20 =	sadd.s32 $0x1, s20;
	s21 =	sadd.s32 $0x300, s21  }
0x99: {  	[tilespmem:s11], [sflag:$0x2] =	stream.indirect.gather [hbm4b:s3+s9], $0x40, s21, s9, $0xb8;
	[tilespmem:$0x16800] =	vst v63  }
.LBB2_15:
0x9a: {  	_ =	sfence.sel $0x180000  }
0x9b: {  	[bflag:$0x0] =	sbarrier.arrive $0xFFFF  }
0x9c: {  	p0 =	sne.s32 s1, $0x0;
	_ =	strace $0x90000047  }
0x9d: {  	s0 =	sadd.s32 @!p0 $0x100000, s0;
	[bflag:$0x2] =	sbarrier.arrive $0xFFFF  }
0x9e: {  	[sflag:s0] =	ssyncadd.tile.s32 @!p0 $0x1;
	_ =	shalt  }
.Lfunc_end2:
_tile_overlayer_lowered:
.L_overlay_start_2:
0x9f: {  	(tag) =	ssettag $0x2  }
0xa0: {  	s0 =	rddreg [dreg:$0x0];
	s2 =	stileid.u32  }
0xa1: {  	s1 =	rddreg [dreg:$0x1];
	p0 =	sne.s32 s2, $0x0  }
0xa2: {  	s3 =	rddreg [dreg:$0x2];
	[bflag:$0x3] =	sbarrier.arrive $0xFFFF;
	s2 =	simm.s32 @!p0 $0x1C05  }
0xa3: {  	[timem:s3], [sflag:s2] =	dma.local @!p0 [hbm:s0], s1  }
0xa4: {  	s0 =	simm.s32 @!p0 $0x5  }
0xa5: {  	_ =	swait.ge @!p0 [sflag:s0], s1  }
0xa6: {  	s1 =	ssub.s32 @!p0 $0x0, s1;
	[sflag:s0] =	ssyncset.done @!p0 $0x0  }
0xa7: {  	[sflag:s0] =	ssyncadd.s32 @!p0 s1  }
0xa8: {  	[bflag:$0x3] =	sbarrier.arrive $0xFFFF  }
0xa9: {  	_ =	shalt  }

</sc_bundles>
